<compile_context>
chip_gen: v7x
topology: tpu7x:2x2x1
jax: 0.10.2.dev20260603
libtpu: 0.0.44.dev20260713+nightly
codegen_flags: <defaults>
</compile_context>

<pallas_src>
import functools

import jax
import jax.numpy as jnp
from jax import lax
from jax.experimental import pallas as pl
from jax.experimental.pallas import tpu as pltpu
from jax.experimental.pallas import tpu_sc as plsc

N = 10000
E = 320000
D = 128
H = 8
DH = 16
HID = 256
SCALE = 1.0 / 4.0

NC = 2
NS = 16
NW = NC * NS
E_PER_W = E // NW
CHUNK = 80
NCHUNK = E_PER_W // CHUNK
ACC_W = D + DH
N_PAD = 10240
ROWS_PER_TILE = N_PAD // NS

RB = 1000
GRID = N // RB



def _proj_body(h_ref, beta_ref, wqt_ref, bq_ref, wkt_ref, bk_ref, wvt_ref,
               bv_ref, qt_ref, k_ref, vp_ref):
    hb = h_ref[...]
    q = jnp.dot(hb, wqt_ref[...], preferred_element_type=jnp.float32) + bq_ref[...]
    qt_ref[...] = q * SCALE
    k_ref[...] = jnp.dot(hb, wkt_ref[...], preferred_element_type=jnp.float32) + bk_ref[...]
    v = jnp.dot(hb, wvt_ref[...], preferred_element_type=jnp.float32) + bv_ref[...]
    b = jnp.exp(SCALE * jnp.log(jnp.clip(beta_ref[...], 1e-8, None)))
    vp_ref[...] = jnp.concatenate(
        [v * b, jnp.broadcast_to(b, (RB, DH))], axis=1)


def _proj(h, beta2d, wqt, bq2, wkt, bk2, wvt, bv2):
    row = lambda i: (i, 0)
    fixed = lambda i: (0, 0)
    return pl.pallas_call(
        _proj_body,
        grid=(GRID,),
        in_specs=[
            pl.BlockSpec((RB, D), row),
            pl.BlockSpec((RB, 1), row),
            pl.BlockSpec((D, D), fixed),
            pl.BlockSpec((1, D), fixed),
            pl.BlockSpec((D, D), fixed),
            pl.BlockSpec((1, D), fixed),
            pl.BlockSpec((D, D), fixed),
            pl.BlockSpec((1, D), fixed),
        ],
        out_specs=[
            pl.BlockSpec((RB, D), row),
            pl.BlockSpec((RB, D), row),
            pl.BlockSpec((RB, ACC_W), row),
        ],
        out_shape=[
            jax.ShapeDtypeStruct((N, D), jnp.float32),
            jax.ShapeDtypeStruct((N, D), jnp.float32),
            jax.ShapeDtypeStruct((N, ACC_W), jnp.float32),
        ],
    )(h, beta2d, wqt, bq2, wkt, bk2, wvt, bv2)



def _edge_body(qt_hbm, k_hbm, vp_hbm, src_hbm, dst_hbm, z_hbm, out_hbm,
               svec, dvec, qrows, krows, vrows, acc,
               semq, semk, semv):
    c = lax.axis_index("c")
    s = lax.axis_index("s")
    w = c * NS + s

    pltpu.sync_copy(z_hbm, acc.at[pl.ds(s * ROWS_PER_TILE, ROWS_PER_TILE)])
    plsc.subcore_barrier()

    def chunk(j, carry):
        base = w * E_PER_W + j * CHUNK
        pltpu.sync_copy(src_hbm.at[pl.ds(base, CHUNK)], svec)
        pltpu.sync_copy(dst_hbm.at[pl.ds(base, CHUNK)], dvec)
        cq = pltpu.async_copy(qt_hbm.at[dvec], qrows, semq)
        ck = pltpu.async_copy(k_hbm.at[svec], krows, semk)
        cv = pltpu.async_copy(vp_hbm.at[svec], vrows, semv)
        cq.wait()
        ck.wait()
        cv.wait()

        lane = lax.iota(jnp.int32, DH)
        perms = [lane ^ step for step in (8, 4, 2, 1)]

        def edge(e, carry2):
            gvec = jnp.zeros((DH,), jnp.float32)
            for h in range(H):
                t = qrows[e, pl.ds(h * DH, DH)] * krows[e, pl.ds(h * DH, DH)]
                for p in perms:
                    t = t + t.at[p].get(mode="promise_in_bounds")
                wv = jnp.exp(t)
                vrows[e, pl.ds(h * DH, DH)] = wv * vrows[e, pl.ds(h * DH, DH)]
                gvec = jnp.where(lane == h, wv, gvec)
            vrows[e, pl.ds(D, DH)] = gvec * vrows[e, pl.ds(D, DH)]
            return carry2

        lax.fori_loop(0, CHUNK, edge, 0)
        pltpu.sync_copy(vrows, acc.at[dvec], add=True)
        return carry

    lax.fori_loop(0, NCHUNK, chunk, 0)

    plsc.subcore_barrier()
    pltpu.sync_copy(
        acc.at[pl.ds(s * ROWS_PER_TILE, ROWS_PER_TILE)],
        out_hbm.at[pl.ds((c * N_PAD) + s * ROWS_PER_TILE, ROWS_PER_TILE)])


def _edge(qt, k, vp, src, dst, zrows):
    mesh = plsc.VectorSubcoreMesh(core_axis_name="c", subcore_axis_name="s")
    f = functools.partial(
        pl.kernel,
        mesh=mesh,
        compiler_params=pltpu.CompilerParams(use_tc_tiling_on_sc=False),
        out_type=jax.ShapeDtypeStruct((NC * N_PAD, ACC_W), jnp.float32),
        scratch_types=[
            pltpu.VMEM((CHUNK,), jnp.int32),
            pltpu.VMEM((CHUNK,), jnp.int32),
            pltpu.VMEM((CHUNK, D), jnp.float32),
            pltpu.VMEM((CHUNK, D), jnp.float32),
            pltpu.VMEM((CHUNK, ACC_W), jnp.float32),
            pltpu.VMEM_SHARED((N_PAD, ACC_W), jnp.float32),
            pltpu.SemaphoreType.DMA,
            pltpu.SemaphoreType.DMA,
            pltpu.SemaphoreType.DMA,
        ],
    )(_edge_body)
    return f(qt, k, vp, src, dst, zrows)



def _final_body(p0_ref, p1_ref, h_ref, wot_ref, bo_ref, w1t_ref, b1_ref,
                w2t_ref, b2_ref, out_ref):
    num = p0_ref[:, :D] + p1_ref[:, :D]
    den = p0_ref[:, D:D + H] + p1_ref[:, D:D + H]
    den = jnp.where(den == 0.0, 1.0, den)
    att = jnp.concatenate(
        [num[:, h * DH:(h + 1) * DH] / den[:, h:h + 1] for h in range(H)],
        axis=1)
    att = jnp.dot(att, wot_ref[...], preferred_element_type=jnp.float32) + bo_ref[...]
    x = h_ref[...] + att
    m = jnp.maximum(
        jnp.dot(x, w1t_ref[...], preferred_element_type=jnp.float32) + b1_ref[...], 0.0)
    out_ref[...] = jnp.dot(m, w2t_ref[...], preferred_element_type=jnp.float32) + b2_ref[...]


def _final(p0, p1, h, wot, bo2, w1t, b12, w2t, b22):
    row = lambda i: (i, 0)
    fixed = lambda i: (0, 0)
    return pl.pallas_call(
        _final_body,
        grid=(GRID,),
        in_specs=[
            pl.BlockSpec((RB, ACC_W), row),
            pl.BlockSpec((RB, ACC_W), row),
            pl.BlockSpec((RB, D), row),
            pl.BlockSpec((D, D), fixed),
            pl.BlockSpec((1, D), fixed),
            pl.BlockSpec((D, HID), fixed),
            pl.BlockSpec((1, HID), fixed),
            pl.BlockSpec((HID, D), fixed),
            pl.BlockSpec((1, D), fixed),
        ],
        out_specs=pl.BlockSpec((RB, D), row),
        out_shape=jax.ShapeDtypeStruct((N, D), jnp.float32),
    )(p0, p1, h, wot, bo2, w1t, b12, w2t, b22)



def kernel(h, edge_index, expert_beta, Wq, bq, Wk, bk, Wv, bv, Wo, bo,
           W1, b1, W2, b2):
    qt, k, vp = _proj(h, expert_beta.reshape(N, 1), Wq.T, bq.reshape(1, D),
                      Wk.T, bk.reshape(1, D), Wv.T, bv.reshape(1, D))
    src = edge_index[0]
    dst = edge_index[1]
    zrows = jnp.zeros((ROWS_PER_TILE, ACC_W), jnp.float32)
    partial = _edge(qt, k, vp, src, dst, zrows)
    out = _final(partial[:N], partial[N_PAD:N_PAD + N], h, Wo.T, bo.reshape(1, D),
                 W1.T, b1.reshape(1, HID), W2.T, b2.reshape(1, D))
    return out

# --- scband reference (transcript-rebuilt; emitter-appended) ---
"""Pipeline reference for scband-graph-attention-expert-75127567942142 (READ-ONLY COPY).

The authoritative reference and input builder live on the scoring server;
editing this copy changes nothing except your own understanding.
"""

import jax, jax.numpy as jnp
import numpy as np

N = 10000
E = 320000
D = 128
H = 8
DH = D // H
HID = 256

def setup_inputs(seed: int = 0) -> dict:
    key = jax.random.key(seed)
    ks = jax.random.split(key, 16)
    h = jax.random.normal(ks[0], (N, D), dtype=jnp.float32)
    edge_index = jax.random.randint(ks[1], (2, E), 0, N, dtype=jnp.int32)
    expert_beta = jax.random.uniform(ks[2], (N,), dtype=jnp.float32)
    s = 0.05
    Wq = jax.random.normal(ks[3], (D, D), dtype=jnp.float32) * s
    bq = jax.random.normal(ks[4], (D,), dtype=jnp.float32) * s
    Wk = jax.random.normal(ks[5], (D, D), dtype=jnp.float32) * s
    bk = jax.random.normal(ks[6], (D,), dtype=jnp.float32) * s
    Wv = jax.random.normal(ks[7], (D, D), dtype=jnp.float32) * s
    bv = jax.random.normal(ks[8], (D,), dtype=jnp.float32) * s
    Wo = jax.random.normal(ks[9], (D, D), dtype=jnp.float32) * s
    bo = jax.random.normal(ks[10], (D,), dtype=jnp.float32) * s
    W1 = jax.random.normal(ks[11], (HID, D), dtype=jnp.float32) * s
    b1 = jax.random.normal(ks[12], (HID,), dtype=jnp.float32) * s
    W2 = jax.random.normal(ks[13], (D, HID), dtype=jnp.float32) * s
    b2 = jax.random.normal(ks[14], (D,), dtype=jnp.float32) * s
    return {"h": h, "edge_index": edge_index, "expert_beta": expert_beta,
            "Wq": Wq, "bq": bq, "Wk": Wk, "bk": bk, "Wv": Wv, "bv": bv,
            "Wo": Wo, "bo": bo, "W1": W1, "b1": b1, "W2": W2, "b2": b2}

def reference(h, edge_index, expert_beta, Wq, bq, Wk, bk, Wv, bv, Wo, bo, W1, b1, W2, b2):
    n = h.shape[0]
    q = (h @ Wq.T + bq).reshape(n, H, DH)
    k = (h @ Wk.T + bk).reshape(n, H, DH)
    v = (h @ Wv.T + bv).reshape(n, H, DH)
    src = edge_index[0]
    dst = edge_index[1]
    # per-edge score: <q_dst, k_src> per head -> [E, H]
    score = jnp.sum(jnp.take(q, dst, axis=0) * jnp.take(k, src, axis=0), axis=-1)
    beta = jnp.clip(expert_beta, 1e-8, None)
    score = score + jnp.log(jnp.take(beta, src, axis=0))[:, None]
    scale = 1.0 / np.sqrt(DH)
    score = score * scale
    # edge softmax grouped by dst node
    m = jax.ops.segment_max(score, dst, num_segments=n)
    ex = jnp.exp(score - jnp.take(m, dst, axis=0))
    denom = jax.ops.segment_sum(ex, dst, num_segments=n)
    alpha = ex / jnp.take(denom, dst, axis=0)
    # weighted message aggregation (scatter-add over dst)
    msg = jnp.take(v, src, axis=0) * alpha[..., None]
    att = jax.ops.segment_sum(msg, dst, num_segments=n).reshape(n, H * DH)
    att = att @ Wo.T + bo
    x = h + att
    hmid = jax.nn.relu(x @ W1.T + b1)
    out = hmid @ W2.T + b2
    return out

if __name__ == "__main__":
    import jax
    _d = setup_inputs()
    print(jax.jit(kernel)(*tuple(_d.values())))

</pallas_src>

<mosaic_0001>
#map = affine_map<(d0, d1) -> (0, 0)>
#map1 = affine_map<(d0, d1) -> (0)>
module attributes {stable_mosaic.version = 14 : i64} {
  func.func @_edge_body(%arg0: i32, %arg1: i32, %arg2: memref<10000x128xf32, #tpu.memory_space<hbm>>, %arg3: memref<10000x128xf32, #tpu.memory_space<hbm>>, %arg4: memref<10000x144xf32, #tpu.memory_space<hbm>>, %arg5: memref<320000xi32, #tpu.memory_space<hbm>>, %arg6: memref<320000xi32, #tpu.memory_space<hbm>>, %arg7: memref<640x144xf32, #tpu.memory_space<hbm>>, %arg8: memref<20480x144xf32, #tpu.memory_space<hbm>>, %arg9: memref<80xi32, #tpu.memory_space<vmem>>, %arg10: memref<80xi32, #tpu.memory_space<vmem>>, %arg11: memref<80x128xf32, #tpu.memory_space<vmem>>, %arg12: memref<80x128xf32, #tpu.memory_space<vmem>>, %arg13: memref<80x144xf32, #tpu.memory_space<vmem>>, %arg14: memref<10240x144xf32, #tpu.memory_space<vmem_shared>>, %arg15: memref<!tpu.dma_semaphore, #tpu.memory_space<semaphore_mem>>, %arg16: memref<!tpu.dma_semaphore, #tpu.memory_space<semaphore_mem>>, %arg17: memref<!tpu.dma_semaphore, #tpu.memory_space<semaphore_mem>>) attributes {dimension_semantics = [#tpu.dimension_semantics<core_parallel>, #tpu.dimension_semantics<subcore_parallel>], iteration_bounds = array<i64: 2, 16>, scalar_prefetch = 0 : i64, scratch_operands = 9 : i64, tpu.core_type = #tpu.core_type<sc_vector_subcore>, window_params = [{transform_indices = #map}, {transform_indices = #map}, {transform_indices = #map}, {transform_indices = #map1}, {transform_indices = #map1}, {transform_indices = #map}, {transform_indices = #map}]} {
    %mul3A = arith.constant 16 : i32
    %mul3A_0 = arith.muli %arg0, %mul3A : i32
    %add3A = arith.addi %mul3A_0, %arg1 : i32
    %mul3A_1 = arith.constant 640 : i32
    %mul3A_2 = arith.muli %arg1, %mul3A_1 : i32
    "tpu.region"() ({
      %run_scoped3A = tpu.sem_alloc : memref<!tpu.dma_semaphore, #tpu.memory_space<semaphore_mem>>
      %dma_start3A = arith.constant 0 : i32
      %dma_start3A_16 = tpu.memref_slice %arg14[%mul3A_2, %dma_start3A] : memref<10240x144xf32, #tpu.memory_space<vmem_shared>> -> memref<640x144xf32, #tpu.memory_space<vmem_shared>>
      tpu.enqueue_dma source(%arg7 : memref<640x144xf32, #tpu.memory_space<hbm>>) target(%dma_start3A_16 : memref<640x144xf32, #tpu.memory_space<vmem_shared>>) target_semaphore(%run_scoped3A : memref<!tpu.dma_semaphore, #tpu.memory_space<semaphore_mem>>)
      %dma_wait3A = arith.constant 0 : i32
      %dma_wait3A_17 = tpu.memref_slice %arg14[%mul3A_2, %dma_wait3A] : memref<10240x144xf32, #tpu.memory_space<vmem_shared>> -> memref<640x144xf32, #tpu.memory_space<vmem_shared>>
      tpu.wait_dma2 semaphore(%run_scoped3A : memref<!tpu.dma_semaphore, #tpu.memory_space<semaphore_mem>>) src(%arg7 : memref<640x144xf32, #tpu.memory_space<hbm>>) dst(%dma_wait3A_17 : memref<640x144xf32, #tpu.memory_space<vmem_shared>>)
      tpu.yield
    }) : () -> ()
    %barrier3A = arith.constant 0 : index
    tpu.barrier barrier_id(%barrier3A)
    %scan3A = arith.constant 0 : i32
    %scan3A_3 = arith.constant 0 : i32
    %scan3A_4 = arith.constant 125 : i32
    %scan3A_5 = arith.addi %scan3A_3, %scan3A_4 : i32
    %scan3A_6 = arith.constant 1 : i32
    scf.for %scan3A_16 = %scan3A_3 to %scan3A_5 step %scan3A_6  : i32 {
      %mul3A_17 = arith.constant 10000 : i32
      %mul3A_18 = arith.muli %add3A, %mul3A_17 : i32
      %mul3A_19 = arith.constant 80 : i32
      %mul3A_20 = arith.muli %scan3A_16, %mul3A_19 : i32
      %add3A_21 = arith.addi %mul3A_18, %mul3A_20 : i32
      "tpu.region"() ({
        %run_scoped3A = tpu.sem_alloc : memref<!tpu.dma_semaphore, #tpu.memory_space<semaphore_mem>>
        %dma_start3A_55 = tpu.memref_slice %arg5[%add3A_21] : memref<320000xi32, #tpu.memory_space<hbm>> -> memref<80xi32, #tpu.memory_space<hbm>>
        %dma_start3A_56 = tpu.memref_slice %arg5[%add3A_21] : memref<320000xi32, #tpu.memory_space<hbm>> -> memref<80xi32, #tpu.memory_space<hbm>>
        tpu.enqueue_dma source(%dma_start3A_56 : memref<80xi32, #tpu.memory_space<hbm>>) target(%arg9 : memref<80xi32, #tpu.memory_space<vmem>>) target_semaphore(%run_scoped3A : memref<!tpu.dma_semaphore, #tpu.memory_space<semaphore_mem>>)
        %dma_wait3A_57 = tpu.memref_slice %arg5[%add3A_21] : memref<320000xi32, #tpu.memory_space<hbm>> -> memref<80xi32, #tpu.memory_space<hbm>>
        %dma_wait3A_58 = tpu.memref_slice %arg5[%add3A_21] : memref<320000xi32, #tpu.memory_space<hbm>> -> memref<80xi32, #tpu.memory_space<hbm>>
        tpu.wait_dma2 semaphore(%run_scoped3A : memref<!tpu.dma_semaphore, #tpu.memory_space<semaphore_mem>>) src(%dma_wait3A_58 : memref<80xi32, #tpu.memory_space<hbm>>) dst(%arg9 : memref<80xi32, #tpu.memory_space<vmem>>)
        tpu.yield
      }) : () -> ()
      "tpu.region"() ({
        %run_scoped3A = tpu.sem_alloc : memref<!tpu.dma_semaphore, #tpu.memory_space<semaphore_mem>>
        %dma_start3A_55 = tpu.memref_slice %arg6[%add3A_21] : memref<320000xi32, #tpu.memory_space<hbm>> -> memref<80xi32, #tpu.memory_space<hbm>>
        %dma_start3A_56 = tpu.memref_slice %arg6[%add3A_21] : memref<320000xi32, #tpu.memory_space<hbm>> -> memref<80xi32, #tpu.memory_space<hbm>>
        tpu.enqueue_dma source(%dma_start3A_56 : memref<80xi32, #tpu.memory_space<hbm>>) target(%arg10 : memref<80xi32, #tpu.memory_space<vmem>>) target_semaphore(%run_scoped3A : memref<!tpu.dma_semaphore, #tpu.memory_space<semaphore_mem>>)
        %dma_wait3A_57 = tpu.memref_slice %arg6[%add3A_21] : memref<320000xi32, #tpu.memory_space<hbm>> -> memref<80xi32, #tpu.memory_space<hbm>>
        %dma_wait3A_58 = tpu.memref_slice %arg6[%add3A_21] : memref<320000xi32, #tpu.memory_space<hbm>> -> memref<80xi32, #tpu.memory_space<hbm>>
        tpu.wait_dma2 semaphore(%run_scoped3A : memref<!tpu.dma_semaphore, #tpu.memory_space<semaphore_mem>>) src(%dma_wait3A_58 : memref<80xi32, #tpu.memory_space<hbm>>) dst(%arg10 : memref<80xi32, #tpu.memory_space<vmem>>)
        tpu.yield
      }) : () -> ()
      %dma_start3A = arith.constant 0 : i32
      %dma_start3A_22 = arith.constant 0 : i32
      %dma_start3A_23 = tpu.memref_slice %arg2[%dma_start3A, %dma_start3A_22] : memref<10000x128xf32, #tpu.memory_space<hbm>> -> memref<10000x128xf32, #tpu.memory_space<hbm>>
      tpu.enqueue_indirect_dma source(%dma_start3A_23 : memref<10000x128xf32, #tpu.memory_space<hbm>>) target(%arg11 : memref<80x128xf32, #tpu.memory_space<vmem>>) offsets(%arg10 : memref<80xi32, #tpu.memory_space<vmem>>) semaphore(%arg15 : memref<!tpu.dma_semaphore, #tpu.memory_space<semaphore_mem>>)
      %dma_start3A_24 = arith.constant 0 : i32
      %dma_start3A_25 = arith.constant 0 : i32
      %dma_start3A_26 = tpu.memref_slice %arg3[%dma_start3A_24, %dma_start3A_25] : memref<10000x128xf32, #tpu.memory_space<hbm>> -> memref<10000x128xf32, #tpu.memory_space<hbm>>
      tpu.enqueue_indirect_dma source(%dma_start3A_26 : memref<10000x128xf32, #tpu.memory_space<hbm>>) target(%arg12 : memref<80x128xf32, #tpu.memory_space<vmem>>) offsets(%arg9 : memref<80xi32, #tpu.memory_space<vmem>>) semaphore(%arg16 : memref<!tpu.dma_semaphore, #tpu.memory_space<semaphore_mem>>)
      %dma_start3A_27 = arith.constant 0 : i32
      %dma_start3A_28 = arith.constant 0 : i32
      %dma_start3A_29 = tpu.memref_slice %arg4[%dma_start3A_27, %dma_start3A_28] : memref<10000x144xf32, #tpu.memory_space<hbm>> -> memref<10000x144xf32, #tpu.memory_space<hbm>>
      tpu.enqueue_indirect_dma source(%dma_start3A_29 : memref<10000x144xf32, #tpu.memory_space<hbm>>) target(%arg13 : memref<80x144xf32, #tpu.memory_space<vmem>>) offsets(%arg9 : memref<80xi32, #tpu.memory_space<vmem>>) semaphore(%arg17 : memref<!tpu.dma_semaphore, #tpu.memory_space<semaphore_mem>>)
      %dma_wait3A = arith.constant 0 : i32
      %dma_wait3A_30 = arith.constant 0 : i32
      %dma_wait3A_31 = tpu.memref_slice %arg2[%dma_wait3A, %dma_wait3A_30] : memref<10000x128xf32, #tpu.memory_space<hbm>> -> memref<10000x128xf32, #tpu.memory_space<hbm>>
      tpu.wait_indirect_dma semaphore(%arg15 : memref<!tpu.dma_semaphore, #tpu.memory_space<semaphore_mem>>) src(%dma_wait3A_31 : memref<10000x128xf32, #tpu.memory_space<hbm>>) dst(%arg11 : memref<80x128xf32, #tpu.memory_space<vmem>>)
      %dma_wait3A_32 = arith.constant 0 : i32
      %dma_wait3A_33 = arith.constant 0 : i32
      %dma_wait3A_34 = tpu.memref_slice %arg3[%dma_wait3A_32, %dma_wait3A_33] : memref<10000x128xf32, #tpu.memory_space<hbm>> -> memref<10000x128xf32, #tpu.memory_space<hbm>>
      tpu.wait_indirect_dma semaphore(%arg16 : memref<!tpu.dma_semaphore, #tpu.memory_space<semaphore_mem>>) src(%dma_wait3A_34 : memref<10000x128xf32, #tpu.memory_space<hbm>>) dst(%arg12 : memref<80x128xf32, #tpu.memory_space<vmem>>)
      %dma_wait3A_35 = arith.constant 0 : i32
      %dma_wait3A_36 = arith.constant 0 : i32
      %dma_wait3A_37 = tpu.memref_slice %arg4[%dma_wait3A_35, %dma_wait3A_36] : memref<10000x144xf32, #tpu.memory_space<hbm>> -> memref<10000x144xf32, #tpu.memory_space<hbm>>
      tpu.wait_indirect_dma semaphore(%arg17 : memref<!tpu.dma_semaphore, #tpu.memory_space<semaphore_mem>>) src(%dma_wait3A_37 : memref<10000x144xf32, #tpu.memory_space<hbm>>) dst(%arg13 : memref<80x144xf32, #tpu.memory_space<vmem>>)
      %iota3A = tpu.iota {dimensions = array<i32: 0>} : vector<16xi32>
      %xor3A = arith.constant 8 : i32
      %xor3A_38 = vector.broadcast %xor3A : i32 to vector<16xi32>
      %xor3A_39 = arith.xori %iota3A, %xor3A_38 : vector<16xi32>
      %xor3A_40 = arith.constant 4 : i32
      %xor3A_41 = vector.broadcast %xor3A_40 : i32 to vector<16xi32>
      %xor3A_42 = arith.xori %iota3A, %xor3A_41 : vector<16xi32>
      %xor3A_43 = arith.constant 2 : i32
      %xor3A_44 = vector.broadcast %xor3A_43 : i32 to vector<16xi32>
      %xor3A_45 = arith.xori %iota3A, %xor3A_44 : vector<16xi32>
      %xor3A_46 = arith.constant 1 : i32
      %xor3A_47 = vector.broadcast %xor3A_46 : i32 to vector<16xi32>
      %xor3A_48 = arith.xori %iota3A, %xor3A_47 : vector<16xi32>
      %scan3A_49 = arith.constant 0 : i32
      %scan3A_50 = arith.constant 0 : i32
      %scan3A_51 = arith.constant 80 : i32
      %scan3A_52 = arith.addi %scan3A_50, %scan3A_51 : i32
      %scan3A_53 = arith.constant 1 : i32
      scf.for %scan3A_55 = %scan3A_50 to %scan3A_52 step %scan3A_53  : i32 {
        %broadcast_in_dim3A = arith.constant 0.000000e+00 : f32
        %broadcast_in_dim3A_56 = vector.broadcast %broadcast_in_dim3A : f32 to vector<16xf32>
        %get3A = arith.index_cast %scan3A_55 : i32 to index
        %get3A_57 = arith.constant 0 : index
        %get3A_58 = tpu.vector_load %arg11[%get3A, %get3A_57] {strides = array<i32>} : memref<80x128xf32, #tpu.memory_space<vmem>>, vector<1x16xf32>,
        %get3A_59 = vector.shape_cast %get3A_58 : vector<1x16xf32> to vector<16xf32>
        %get3A_60 = arith.index_cast %scan3A_55 : i32 to index
        %get3A_61 = arith.constant 0 : index
        %get3A_62 = tpu.vector_load %arg12[%get3A_60, %get3A_61] {strides = array<i32>} : memref<80x128xf32, #tpu.memory_space<vmem>>, vector<1x16xf32>,
        %get3A_63 = vector.shape_cast %get3A_62 : vector<1x16xf32> to vector<16xf32>
        %mul3A_64 = arith.mulf %get3A_59, %get3A_63 : vector<16xf32>
        %lt3A = arith.constant 0 : i32
        %lt3A_65 = vector.broadcast %lt3A : i32 to vector<16xi32>
        %lt3A_66 = arith.cmpi slt, %xor3A_39, %lt3A_65 : vector<16xi32>
        %add3A_67 = arith.constant 16 : i32
        %add3A_68 = vector.broadcast %add3A_67 : i32 to vector<16xi32>
        %add3A_69 = arith.addi %xor3A_39, %add3A_68 : vector<16xi32>
        %select_n3A = arith.select %lt3A_66, %add3A_69, %xor3A_39 : vector<16xi1>, vector<16xi32>
        %broadcast_in_dim3A_70 = vector.shape_cast %select_n3A : vector<16xi32> to vector<16x1xi32>
        %gather3A = vector.shape_cast %broadcast_in_dim3A_70 : vector<16x1xi32> to vector<16xi32>
        %gather3A_71 = tpu.dynamic_gather %mul3A_64[%gather3A] in [0] : vector<16xf32>, vector<16xi32> -> vector<16xf32>
        %add3A_72 = arith.addf %mul3A_64, %gather3A_71 : vector<16xf32>
        %lt3A_73 = arith.constant 0 : i32
        %lt3A_74 = vector.broadcast %lt3A_73 : i32 to vector<16xi32>
        %lt3A_75 = arith.cmpi slt, %xor3A_42, %lt3A_74 : vector<16xi32>
        %add3A_76 = arith.constant 16 : i32
        %add3A_77 = vector.broadcast %add3A_76 : i32 to vector<16xi32>
        %add3A_78 = arith.addi %xor3A_42, %add3A_77 : vector<16xi32>
        %select_n3A_79 = arith.select %lt3A_75, %add3A_78, %xor3A_42 : vector<16xi1>, vector<16xi32>
        %broadcast_in_dim3A_80 = vector.shape_cast %select_n3A_79 : vector<16xi32> to vector<16x1xi32>
        %gather3A_81 = vector.shape_cast %broadcast_in_dim3A_80 : vector<16x1xi32> to vector<16xi32>
        %gather3A_82 = tpu.dynamic_gather %add3A_72[%gather3A_81] in [0] : vector<16xf32>, vector<16xi32> -> vector<16xf32>
        %add3A_83 = arith.addf %add3A_72, %gather3A_82 : vector<16xf32>
        %lt3A_84 = arith.constant 0 : i32
        %lt3A_85 = vector.broadcast %lt3A_84 : i32 to vector<16xi32>
        %lt3A_86 = arith.cmpi slt, %xor3A_45, %lt3A_85 : vector<16xi32>
        %add3A_87 = arith.constant 16 : i32
        %add3A_88 = vector.broadcast %add3A_87 : i32 to vector<16xi32>
        %add3A_89 = arith.addi %xor3A_45, %add3A_88 : vector<16xi32>
        %select_n3A_90 = arith.select %lt3A_86, %add3A_89, %xor3A_45 : vector<16xi1>, vector<16xi32>
        %broadcast_in_dim3A_91 = vector.shape_cast %select_n3A_90 : vector<16xi32> to vector<16x1xi32>
        %gather3A_92 = vector.shape_cast %broadcast_in_dim3A_91 : vector<16x1xi32> to vector<16xi32>
        %gather3A_93 = tpu.dynamic_gather %add3A_83[%gather3A_92] in [0] : vector<16xf32>, vector<16xi32> -> vector<16xf32>
        %add3A_94 = arith.addf %add3A_83, %gather3A_93 : vector<16xf32>
        %lt3A_95 = arith.constant 0 : i32
        %lt3A_96 = vector.broadcast %lt3A_95 : i32 to vector<16xi32>
        %lt3A_97 = arith.cmpi slt, %xor3A_48, %lt3A_96 : vector<16xi32>
        %add3A_98 = arith.constant 16 : i32
        %add3A_99 = vector.broadcast %add3A_98 : i32 to vector<16xi32>
        %add3A_100 = arith.addi %xor3A_48, %add3A_99 : vector<16xi32>
        %select_n3A_101 = arith.select %lt3A_97, %add3A_100, %xor3A_48 : vector<16xi1>, vector<16xi32>
        %broadcast_in_dim3A_102 = vector.shape_cast %select_n3A_101 : vector<16xi32> to vector<16x1xi32>
        %gather3A_103 = vector.shape_cast %broadcast_in_dim3A_102 : vector<16x1xi32> to vector<16xi32>
        %gather3A_104 = tpu.dynamic_gather %add3A_94[%gather3A_103] in [0] : vector<16xf32>, vector<16xi32> -> vector<16xf32>
        %add3A_105 = arith.addf %add3A_94, %gather3A_104 : vector<16xf32>
        %exp3A = math.exp %add3A_105 : vector<16xf32>
        %get3A_106 = arith.index_cast %scan3A_55 : i32 to index
        %get3A_107 = arith.constant 0 : index
        %get3A_108 = tpu.vector_load %arg13[%get3A_106, %get3A_107] {strides = array<i32>} : memref<80x144xf32, #tpu.memory_space<vmem>>, vector<1x16xf32>,
        %get3A_109 = vector.shape_cast %get3A_108 : vector<1x16xf32> to vector<16xf32>
        %mul3A_110 = arith.mulf %exp3A, %get3A_109 : vector<16xf32>
        %swap3A = arith.index_cast %scan3A_55 : i32 to index
        %swap3A_111 = arith.constant 0 : index
        %swap3A_112 = tpu.vector_load %arg13[%swap3A, %swap3A_111] {strides = array<i32>} : memref<80x144xf32, #tpu.memory_space<vmem>>, vector<1x16xf32>,
        %swap3A_113 = vector.shape_cast %swap3A_112 : vector<1x16xf32> to vector<16xf32>
        %swap3A_114 = vector.shape_cast %mul3A_110 : vector<16xf32> to vector<1x16xf32>
        tpu.vector_store %arg13[%swap3A, %swap3A_111], %swap3A_114 {strides = array<i32>} : memref<80x144xf32, #tpu.memory_space<vmem>>, vector<1x16xf32>,
        %eq3A = arith.constant 0 : i32
        %eq3A_115 = vector.broadcast %eq3A : i32 to vector<16xi32>
        %eq3A_116 = arith.cmpi eq, %iota3A, %eq3A_115 : vector<16xi32>
        %select_n3A_117 = arith.select %eq3A_116, %exp3A, %broadcast_in_dim3A_56 : vector<16xi1>, vector<16xf32>
        %get3A_118 = arith.index_cast %scan3A_55 : i32 to index
        %get3A_119 = arith.constant 16 : index
        %get3A_120 = tpu.vector_load %arg11[%get3A_118, %get3A_119] {strides = array<i32>} : memref<80x128xf32, #tpu.memory_space<vmem>>, vector<1x16xf32>,
        %get3A_121 = vector.shape_cast %get3A_120 : vector<1x16xf32> to vector<16xf32>
        %get3A_122 = arith.index_cast %scan3A_55 : i32 to index
        %get3A_123 = arith.constant 16 : index
        %get3A_124 = tpu.vector_load %arg12[%get3A_122, %get3A_123] {strides = array<i32>} : memref<80x128xf32, #tpu.memory_space<vmem>>, vector<1x16xf32>,
        %get3A_125 = vector.shape_cast %get3A_124 : vector<1x16xf32> to vector<16xf32>
        %mul3A_126 = arith.mulf %get3A_121, %get3A_125 : vector<16xf32>
        %lt3A_127 = arith.constant 0 : i32
        %lt3A_128 = vector.broadcast %lt3A_127 : i32 to vector<16xi32>
        %lt3A_129 = arith.cmpi slt, %xor3A_39, %lt3A_128 : vector<16xi32>
        %add3A_130 = arith.constant 16 : i32
        %add3A_131 = vector.broadcast %add3A_130 : i32 to vector<16xi32>
        %add3A_132 = arith.addi %xor3A_39, %add3A_131 : vector<16xi32>
        %select_n3A_133 = arith.select %lt3A_129, %add3A_132, %xor3A_39 : vector<16xi1>, vector<16xi32>
        %broadcast_in_dim3A_134 = vector.shape_cast %select_n3A_133 : vector<16xi32> to vector<16x1xi32>
        %gather3A_135 = vector.shape_cast %broadcast_in_dim3A_134 : vector<16x1xi32> to vector<16xi32>
        %gather3A_136 = tpu.dynamic_gather %mul3A_126[%gather3A_135] in [0] : vector<16xf32>, vector<16xi32> -> vector<16xf32>
        %add3A_137 = arith.addf %mul3A_126, %gather3A_136 : vector<16xf32>
        %lt3A_138 = arith.constant 0 : i32
        %lt3A_139 = vector.broadcast %lt3A_138 : i32 to vector<16xi32>
        %lt3A_140 = arith.cmpi slt, %xor3A_42, %lt3A_139 : vector<16xi32>
        %add3A_141 = arith.constant 16 : i32
        %add3A_142 = vector.broadcast %add3A_141 : i32 to vector<16xi32>
        %add3A_143 = arith.addi %xor3A_42, %add3A_142 : vector<16xi32>
        %select_n3A_144 = arith.select %lt3A_140, %add3A_143, %xor3A_42 : vector<16xi1>, vector<16xi32>
        %broadcast_in_dim3A_145 = vector.shape_cast %select_n3A_144 : vector<16xi32> to vector<16x1xi32>
        %gather3A_146 = vector.shape_cast %broadcast_in_dim3A_145 : vector<16x1xi32> to vector<16xi32>
        %gather3A_147 = tpu.dynamic_gather %add3A_137[%gather3A_146] in [0] : vector<16xf32>, vector<16xi32> -> vector<16xf32>
        %add3A_148 = arith.addf %add3A_137, %gather3A_147 : vector<16xf32>
        %lt3A_149 = arith.constant 0 : i32
        %lt3A_150 = vector.broadcast %lt3A_149 : i32 to vector<16xi32>
        %lt3A_151 = arith.cmpi slt, %xor3A_45, %lt3A_150 : vector<16xi32>
        %add3A_152 = arith.constant 16 : i32
        %add3A_153 = vector.broadcast %add3A_152 : i32 to vector<16xi32>
        %add3A_154 = arith.addi %xor3A_45, %add3A_153 : vector<16xi32>
        %select_n3A_155 = arith.select %lt3A_151, %add3A_154, %xor3A_45 : vector<16xi1>, vector<16xi32>
        %broadcast_in_dim3A_156 = vector.shape_cast %select_n3A_155 : vector<16xi32> to vector<16x1xi32>
        %gather3A_157 = vector.shape_cast %broadcast_in_dim3A_156 : vector<16x1xi32> to vector<16xi32>
        %gather3A_158 = tpu.dynamic_gather %add3A_148[%gather3A_157] in [0] : vector<16xf32>, vector<16xi32> -> vector<16xf32>
        %add3A_159 = arith.addf %add3A_148, %gather3A_158 : vector<16xf32>
        %lt3A_160 = arith.constant 0 : i32
        %lt3A_161 = vector.broadcast %lt3A_160 : i32 to vector<16xi32>
        %lt3A_162 = arith.cmpi slt, %xor3A_48, %lt3A_161 : vector<16xi32>
        %add3A_163 = arith.constant 16 : i32
        %add3A_164 = vector.broadcast %add3A_163 : i32 to vector<16xi32>
        %add3A_165 = arith.addi %xor3A_48, %add3A_164 : vector<16xi32>
        %select_n3A_166 = arith.select %lt3A_162, %add3A_165, %xor3A_48 : vector<16xi1>, vector<16xi32>
        %broadcast_in_dim3A_167 = vector.shape_cast %select_n3A_166 : vector<16xi32> to vector<16x1xi32>
        %gather3A_168 = vector.shape_cast %broadcast_in_dim3A_167 : vector<16x1xi32> to vector<16xi32>
        %gather3A_169 = tpu.dynamic_gather %add3A_159[%gather3A_168] in [0] : vector<16xf32>, vector<16xi32> -> vector<16xf32>
        %add3A_170 = arith.addf %add3A_159, %gather3A_169 : vector<16xf32>
        %exp3A_171 = math.exp %add3A_170 : vector<16xf32>
        %get3A_172 = arith.index_cast %scan3A_55 : i32 to index
        %get3A_173 = arith.constant 16 : index
        %get3A_174 = tpu.vector_load %arg13[%get3A_172, %get3A_173] {strides = array<i32>} : memref<80x144xf32, #tpu.memory_space<vmem>>, vector<1x16xf32>,
        %get3A_175 = vector.shape_cast %get3A_174 : vector<1x16xf32> to vector<16xf32>
        %mul3A_176 = arith.mulf %exp3A_171, %get3A_175 : vector<16xf32>
        %swap3A_177 = arith.index_cast %scan3A_55 : i32 to index
        %swap3A_178 = arith.constant 16 : index
        %swap3A_179 = tpu.vector_load %arg13[%swap3A_177, %swap3A_178] {strides = array<i32>} : memref<80x144xf32, #tpu.memory_space<vmem>>, vector<1x16xf32>,
        %swap3A_180 = vector.shape_cast %swap3A_179 : vector<1x16xf32> to vector<16xf32>
        %swap3A_181 = vector.shape_cast %mul3A_176 : vector<16xf32> to vector<1x16xf32>
        tpu.vector_store %arg13[%swap3A_177, %swap3A_178], %swap3A_181 {strides = array<i32>} : memref<80x144xf32, #tpu.memory_space<vmem>>, vector<1x16xf32>,
        %eq3A_182 = arith.constant 1 : i32
        %eq3A_183 = vector.broadcast %eq3A_182 : i32 to vector<16xi32>
        %eq3A_184 = arith.cmpi eq, %iota3A, %eq3A_183 : vector<16xi32>
        %select_n3A_185 = arith.select %eq3A_184, %exp3A_171, %select_n3A_117 : vector<16xi1>, vector<16xf32>
        %get3A_186 = arith.index_cast %scan3A_55 : i32 to index
        %get3A_187 = arith.constant 32 : index
        %get3A_188 = tpu.vector_load %arg11[%get3A_186, %get3A_187] {strides = array<i32>} : memref<80x128xf32, #tpu.memory_space<vmem>>, vector<1x16xf32>,
        %get3A_189 = vector.shape_cast %get3A_188 : vector<1x16xf32> to vector<16xf32>
        %get3A_190 = arith.index_cast %scan3A_55 : i32 to index
        %get3A_191 = arith.constant 32 : index
        %get3A_192 = tpu.vector_load %arg12[%get3A_190, %get3A_191] {strides = array<i32>} : memref<80x128xf32, #tpu.memory_space<vmem>>, vector<1x16xf32>,
        %get3A_193 = vector.shape_cast %get3A_192 : vector<1x16xf32> to vector<16xf32>
        %mul3A_194 = arith.mulf %get3A_189, %get3A_193 : vector<16xf32>
        %lt3A_195 = arith.constant 0 : i32
        %lt3A_196 = vector.broadcast %lt3A_195 : i32 to vector<16xi32>
        %lt3A_197 = arith.cmpi slt, %xor3A_39, %lt3A_196 : vector<16xi32>
        %add3A_198 = arith.constant 16 : i32
        %add3A_199 = vector.broadcast %add3A_198 : i32 to vector<16xi32>
        %add3A_200 = arith.addi %xor3A_39, %add3A_199 : vector<16xi32>
        %select_n3A_201 = arith.select %lt3A_197, %add3A_200, %xor3A_39 : vector<16xi1>, vector<16xi32>
        %broadcast_in_dim3A_202 = vector.shape_cast %select_n3A_201 : vector<16xi32> to vector<16x1xi32>
        %gather3A_203 = vector.shape_cast %broadcast_in_dim3A_202 : vector<16x1xi32> to vector<16xi32>
        %gather3A_204 = tpu.dynamic_gather %mul3A_194[%gather3A_203] in [0] : vector<16xf32>, vector<16xi32> -> vector<16xf32>
        %add3A_205 = arith.addf %mul3A_194, %gather3A_204 : vector<16xf32>
        %lt3A_206 = arith.constant 0 : i32
        %lt3A_207 = vector.broadcast %lt3A_206 : i32 to vector<16xi32>
        %lt3A_208 = arith.cmpi slt, %xor3A_42, %lt3A_207 : vector<16xi32>
        %add3A_209 = arith.constant 16 : i32
        %add3A_210 = vector.broadcast %add3A_209 : i32 to vector<16xi32>
        %add3A_211 = arith.addi %xor3A_42, %add3A_210 : vector<16xi32>
        %select_n3A_212 = arith.select %lt3A_208, %add3A_211, %xor3A_42 : vector<16xi1>, vector<16xi32>
        %broadcast_in_dim3A_213 = vector.shape_cast %select_n3A_212 : vector<16xi32> to vector<16x1xi32>
        %gather3A_214 = vector.shape_cast %broadcast_in_dim3A_213 : vector<16x1xi32> to vector<16xi32>
        %gather3A_215 = tpu.dynamic_gather %add3A_205[%gather3A_214] in [0] : vector<16xf32>, vector<16xi32> -> vector<16xf32>
        %add3A_216 = arith.addf %add3A_205, %gather3A_215 : vector<16xf32>
        %lt3A_217 = arith.constant 0 : i32
        %lt3A_218 = vector.broadcast %lt3A_217 : i32 to vector<16xi32>
        %lt3A_219 = arith.cmpi slt, %xor3A_45, %lt3A_218 : vector<16xi32>
        %add3A_220 = arith.constant 16 : i32
        %add3A_221 = vector.broadcast %add3A_220 : i32 to vector<16xi32>
        %add3A_222 = arith.addi %xor3A_45, %add3A_221 : vector<16xi32>
        %select_n3A_223 = arith.select %lt3A_219, %add3A_222, %xor3A_45 : vector<16xi1>, vector<16xi32>
        %broadcast_in_dim3A_224 = vector.shape_cast %select_n3A_223 : vector<16xi32> to vector<16x1xi32>
        %gather3A_225 = vector.shape_cast %broadcast_in_dim3A_224 : vector<16x1xi32> to vector<16xi32>
        %gather3A_226 = tpu.dynamic_gather %add3A_216[%gather3A_225] in [0] : vector<16xf32>, vector<16xi32> -> vector<16xf32>
        %add3A_227 = arith.addf %add3A_216, %gather3A_226 : vector<16xf32>
        %lt3A_228 = arith.constant 0 : i32
        %lt3A_229 = vector.broadcast %lt3A_228 : i32 to vector<16xi32>
        %lt3A_230 = arith.cmpi slt, %xor3A_48, %lt3A_229 : vector<16xi32>
        %add3A_231 = arith.constant 16 : i32
        %add3A_232 = vector.broadcast %add3A_231 : i32 to vector<16xi32>
        %add3A_233 = arith.addi %xor3A_48, %add3A_232 : vector<16xi32>
        %select_n3A_234 = arith.select %lt3A_230, %add3A_233, %xor3A_48 : vector<16xi1>, vector<16xi32>
        %broadcast_in_dim3A_235 = vector.shape_cast %select_n3A_234 : vector<16xi32> to vector<16x1xi32>
        %gather3A_236 = vector.shape_cast %broadcast_in_dim3A_235 : vector<16x1xi32> to vector<16xi32>
        %gather3A_237 = tpu.dynamic_gather %add3A_227[%gather3A_236] in [0] : vector<16xf32>, vector<16xi32> -> vector<16xf32>
        %add3A_238 = arith.addf %add3A_227, %gather3A_237 : vector<16xf32>
        %exp3A_239 = math.exp %add3A_238 : vector<16xf32>
        %get3A_240 = arith.index_cast %scan3A_55 : i32 to index
        %get3A_241 = arith.constant 32 : index
        %get3A_242 = tpu.vector_load %arg13[%get3A_240, %get3A_241] {strides = array<i32>} : memref<80x144xf32, #tpu.memory_space<vmem>>, vector<1x16xf32>,
        %get3A_243 = vector.shape_cast %get3A_242 : vector<1x16xf32> to vector<16xf32>
        %mul3A_244 = arith.mulf %exp3A_239, %get3A_243 : vector<16xf32>
        %swap3A_245 = arith.index_cast %scan3A_55 : i32 to index
        %swap3A_246 = arith.constant 32 : index
        %swap3A_247 = tpu.vector_load %arg13[%swap3A_245, %swap3A_246] {strides = array<i32>} : memref<80x144xf32, #tpu.memory_space<vmem>>, vector<1x16xf32>,
        %swap3A_248 = vector.shape_cast %swap3A_247 : vector<1x16xf32> to vector<16xf32>
        %swap3A_249 = vector.shape_cast %mul3A_244 : vector<16xf32> to vector<1x16xf32>
        tpu.vector_store %arg13[%swap3A_245, %swap3A_246], %swap3A_249 {strides = array<i32>} : memref<80x144xf32, #tpu.memory_space<vmem>>, vector<1x16xf32>,
        %eq3A_250 = arith.constant 2 : i32
        %eq3A_251 = vector.broadcast %eq3A_250 : i32 to vector<16xi32>
        %eq3A_252 = arith.cmpi eq, %iota3A, %eq3A_251 : vector<16xi32>
        %select_n3A_253 = arith.select %eq3A_252, %exp3A_239, %select_n3A_185 : vector<16xi1>, vector<16xf32>
        %get3A_254 = arith.index_cast %scan3A_55 : i32 to index
        %get3A_255 = arith.constant 48 : index
        %get3A_256 = tpu.vector_load %arg11[%get3A_254, %get3A_255] {strides = array<i32>} : memref<80x128xf32, #tpu.memory_space<vmem>>, vector<1x16xf32>,
        %get3A_257 = vector.shape_cast %get3A_256 : vector<1x16xf32> to vector<16xf32>
        %get3A_258 = arith.index_cast %scan3A_55 : i32 to index
        %get3A_259 = arith.constant 48 : index
        %get3A_260 = tpu.vector_load %arg12[%get3A_258, %get3A_259] {strides = array<i32>} : memref<80x128xf32, #tpu.memory_space<vmem>>, vector<1x16xf32>,
        %get3A_261 = vector.shape_cast %get3A_260 : vector<1x16xf32> to vector<16xf32>
        %mul3A_262 = arith.mulf %get3A_257, %get3A_261 : vector<16xf32>
        %lt3A_263 = arith.constant 0 : i32
        %lt3A_264 = vector.broadcast %lt3A_263 : i32 to vector<16xi32>
        %lt3A_265 = arith.cmpi slt, %xor3A_39, %lt3A_264 : vector<16xi32>
        %add3A_266 = arith.constant 16 : i32
        %add3A_267 = vector.broadcast %add3A_266 : i32 to vector<16xi32>
        %add3A_268 = arith.addi %xor3A_39, %add3A_267 : vector<16xi32>
        %select_n3A_269 = arith.select %lt3A_265, %add3A_268, %xor3A_39 : vector<16xi1>, vector<16xi32>
        %broadcast_in_dim3A_270 = vector.shape_cast %select_n3A_269 : vector<16xi32> to vector<16x1xi32>
        %gather3A_271 = vector.shape_cast %broadcast_in_dim3A_270 : vector<16x1xi32> to vector<16xi32>
        %gather3A_272 = tpu.dynamic_gather %mul3A_262[%gather3A_271] in [0] : vector<16xf32>, vector<16xi32> -> vector<16xf32>
        %add3A_273 = arith.addf %mul3A_262, %gather3A_272 : vector<16xf32>
        %lt3A_274 = arith.constant 0 : i32
        %lt3A_275 = vector.broadcast %lt3A_274 : i32 to vector<16xi32>
        %lt3A_276 = arith.cmpi slt, %xor3A_42, %lt3A_275 : vector<16xi32>
        %add3A_277 = arith.constant 16 : i32
        %add3A_278 = vector.broadcast %add3A_277 : i32 to vector<16xi32>
        %add3A_279 = arith.addi %xor3A_42, %add3A_278 : vector<16xi32>
        %select_n3A_280 = arith.select %lt3A_276, %add3A_279, %xor3A_42 : vector<16xi1>, vector<16xi32>
        %broadcast_in_dim3A_281 = vector.shape_cast %select_n3A_280 : vector<16xi32> to vector<16x1xi32>
        %gather3A_282 = vector.shape_cast %broadcast_in_dim3A_281 : vector<16x1xi32> to vector<16xi32>
        %gather3A_283 = tpu.dynamic_gather %add3A_273[%gather3A_282] in [0] : vector<16xf32>, vector<16xi32> -> vector<16xf32>
        %add3A_284 = arith.addf %add3A_273, %gather3A_283 : vector<16xf32>
        %lt3A_285 = arith.constant 0 : i32
        %lt3A_286 = vector.broadcast %lt3A_285 : i32 to vector<16xi32>
        %lt3A_287 = arith.cmpi slt, %xor3A_45, %lt3A_286 : vector<16xi32>
        %add3A_288 = arith.constant 16 : i32
        %add3A_289 = vector.broadcast %add3A_288 : i32 to vector<16xi32>
        %add3A_290 = arith.addi %xor3A_45, %add3A_289 : vector<16xi32>
        %select_n3A_291 = arith.select %lt3A_287, %add3A_290, %xor3A_45 : vector<16xi1>, vector<16xi32>
        %broadcast_in_dim3A_292 = vector.shape_cast %select_n3A_291 : vector<16xi32> to vector<16x1xi32>
        %gather3A_293 = vector.shape_cast %broadcast_in_dim3A_292 : vector<16x1xi32> to vector<16xi32>
        %gather3A_294 = tpu.dynamic_gather %add3A_284[%gather3A_293] in [0] : vector<16xf32>, vector<16xi32> -> vector<16xf32>
        %add3A_295 = arith.addf %add3A_284, %gather3A_294 : vector<16xf32>
        %lt3A_296 = arith.constant 0 : i32
        %lt3A_297 = vector.broadcast %lt3A_296 : i32 to vector<16xi32>
        %lt3A_298 = arith.cmpi slt, %xor3A_48, %lt3A_297 : vector<16xi32>
        %add3A_299 = arith.constant 16 : i32
        %add3A_300 = vector.broadcast %add3A_299 : i32 to vector<16xi32>
        %add3A_301 = arith.addi %xor3A_48, %add3A_300 : vector<16xi32>
        %select_n3A_302 = arith.select %lt3A_298, %add3A_301, %xor3A_48 : vector<16xi1>, vector<16xi32>
        %broadcast_in_dim3A_303 = vector.shape_cast %select_n3A_302 : vector<16xi32> to vector<16x1xi32>
        %gather3A_304 = vector.shape_cast %broadcast_in_dim3A_303 : vector<16x1xi32> to vector<16xi32>
        %gather3A_305 = tpu.dynamic_gather %add3A_295[%gather3A_304] in [0] : vector<16xf32>, vector<16xi32> -> vector<16xf32>
        %add3A_306 = arith.addf %add3A_295, %gather3A_305 : vector<16xf32>
        %exp3A_307 = math.exp %add3A_306 : vector<16xf32>
        %get3A_308 = arith.index_cast %scan3A_55 : i32 to index
        %get3A_309 = arith.constant 48 : index
        %get3A_310 = tpu.vector_load %arg13[%get3A_308, %get3A_309] {strides = array<i32>} : memref<80x144xf32, #tpu.memory_space<vmem>>, vector<1x16xf32>,
        %get3A_311 = vector.shape_cast %get3A_310 : vector<1x16xf32> to vector<16xf32>
        %mul3A_312 = arith.mulf %exp3A_307, %get3A_311 : vector<16xf32>
        %swap3A_313 = arith.index_cast %scan3A_55 : i32 to index
        %swap3A_314 = arith.constant 48 : index
        %swap3A_315 = tpu.vector_load %arg13[%swap3A_313, %swap3A_314] {strides = array<i32>} : memref<80x144xf32, #tpu.memory_space<vmem>>, vector<1x16xf32>,
        %swap3A_316 = vector.shape_cast %swap3A_315 : vector<1x16xf32> to vector<16xf32>
        %swap3A_317 = vector.shape_cast %mul3A_312 : vector<16xf32> to vector<1x16xf32>
        tpu.vector_store %arg13[%swap3A_313, %swap3A_314], %swap3A_317 {strides = array<i32>} : memref<80x144xf32, #tpu.memory_space<vmem>>, vector<1x16xf32>,
        %eq3A_318 = arith.constant 3 : i32
        %eq3A_319 = vector.broadcast %eq3A_318 : i32 to vector<16xi32>
        %eq3A_320 = arith.cmpi eq, %iota3A, %eq3A_319 : vector<16xi32>
        %select_n3A_321 = arith.select %eq3A_320, %exp3A_307, %select_n3A_253 : vector<16xi1>, vector<16xf32>
        %get3A_322 = arith.index_cast %scan3A_55 : i32 to index
        %get3A_323 = arith.constant 64 : index
        %get3A_324 = tpu.vector_load %arg11[%get3A_322, %get3A_323] {strides = array<i32>} : memref<80x128xf32, #tpu.memory_space<vmem>>, vector<1x16xf32>,
        %get3A_325 = vector.shape_cast %get3A_324 : vector<1x16xf32> to vector<16xf32>
        %get3A_326 = arith.index_cast %scan3A_55 : i32 to index
        %get3A_327 = arith.constant 64 : index
        %get3A_328 = tpu.vector_load %arg12[%get3A_326, %get3A_327] {strides = array<i32>} : memref<80x128xf32, #tpu.memory_space<vmem>>, vector<1x16xf32>,
        %get3A_329 = vector.shape_cast %get3A_328 : vector<1x16xf32> to vector<16xf32>
        %mul3A_330 = arith.mulf %get3A_325, %get3A_329 : vector<16xf32>
        %lt3A_331 = arith.constant 0 : i32
        %lt3A_332 = vector.broadcast %lt3A_331 : i32 to vector<16xi32>
        %lt3A_333 = arith.cmpi slt, %xor3A_39, %lt3A_332 : vector<16xi32>
        %add3A_334 = arith.constant 16 : i32
        %add3A_335 = vector.broadcast %add3A_334 : i32 to vector<16xi32>
        %add3A_336 = arith.addi %xor3A_39, %add3A_335 : vector<16xi32>
        %select_n3A_337 = arith.select %lt3A_333, %add3A_336, %xor3A_39 : vector<16xi1>, vector<16xi32>
        %broadcast_in_dim3A_338 = vector.shape_cast %select_n3A_337 : vector<16xi32> to vector<16x1xi32>
        %gather3A_339 = vector.shape_cast %broadcast_in_dim3A_338 : vector<16x1xi32> to vector<16xi32>
        %gather3A_340 = tpu.dynamic_gather %mul3A_330[%gather3A_339] in [0] : vector<16xf32>, vector<16xi32> -> vector<16xf32>
        %add3A_341 = arith.addf %mul3A_330, %gather3A_340 : vector<16xf32>
        %lt3A_342 = arith.constant 0 : i32
        %lt3A_343 = vector.broadcast %lt3A_342 : i32 to vector<16xi32>
        %lt3A_344 = arith.cmpi slt, %xor3A_42, %lt3A_343 : vector<16xi32>
        %add3A_345 = arith.constant 16 : i32
        %add3A_346 = vector.broadcast %add3A_345 : i32 to vector<16xi32>
        %add3A_347 = arith.addi %xor3A_42, %add3A_346 : vector<16xi32>
        %select_n3A_348 = arith.select %lt3A_344, %add3A_347, %xor3A_42 : vector<16xi1>, vector<16xi32>
        %broadcast_in_dim3A_349 = vector.shape_cast %select_n3A_348 : vector<16xi32> to vector<16x1xi32>
        %gather3A_350 = vector.shape_cast %broadcast_in_dim3A_349 : vector<16x1xi32> to vector<16xi32>
        %gather3A_351 = tpu.dynamic_gather %add3A_341[%gather3A_350] in [0] : vector<16xf32>, vector<16xi32> -> vector<16xf32>
        %add3A_352 = arith.addf %add3A_341, %gather3A_351 : vector<16xf32>
        %lt3A_353 = arith.constant 0 : i32
        %lt3A_354 = vector.broadcast %lt3A_353 : i32 to vector<16xi32>
        %lt3A_355 = arith.cmpi slt, %xor3A_45, %lt3A_354 : vector<16xi32>
        %add3A_356 = arith.constant 16 : i32
        %add3A_357 = vector.broadcast %add3A_356 : i32 to vector<16xi32>
        %add3A_358 = arith.addi %xor3A_45, %add3A_357 : vector<16xi32>
        %select_n3A_359 = arith.select %lt3A_355, %add3A_358, %xor3A_45 : vector<16xi1>, vector<16xi32>
        %broadcast_in_dim3A_360 = vector.shape_cast %select_n3A_359 : vector<16xi32> to vector<16x1xi32>
        %gather3A_361 = vector.shape_cast %broadcast_in_dim3A_360 : vector<16x1xi32> to vector<16xi32>
        %gather3A_362 = tpu.dynamic_gather %add3A_352[%gather3A_361] in [0] : vector<16xf32>, vector<16xi32> -> vector<16xf32>
        %add3A_363 = arith.addf %add3A_352, %gather3A_362 : vector<16xf32>
        %lt3A_364 = arith.constant 0 : i32
        %lt3A_365 = vector.broadcast %lt3A_364 : i32 to vector<16xi32>
        %lt3A_366 = arith.cmpi slt, %xor3A_48, %lt3A_365 : vector<16xi32>
        %add3A_367 = arith.constant 16 : i32
        %add3A_368 = vector.broadcast %add3A_367 : i32 to vector<16xi32>
        %add3A_369 = arith.addi %xor3A_48, %add3A_368 : vector<16xi32>
        %select_n3A_370 = arith.select %lt3A_366, %add3A_369, %xor3A_48 : vector<16xi1>, vector<16xi32>
        %broadcast_in_dim3A_371 = vector.shape_cast %select_n3A_370 : vector<16xi32> to vector<16x1xi32>
        %gather3A_372 = vector.shape_cast %broadcast_in_dim3A_371 : vector<16x1xi32> to vector<16xi32>
        %gather3A_373 = tpu.dynamic_gather %add3A_363[%gather3A_372] in [0] : vector<16xf32>, vector<16xi32> -> vector<16xf32>
        %add3A_374 = arith.addf %add3A_363, %gather3A_373 : vector<16xf32>
        %exp3A_375 = math.exp %add3A_374 : vector<16xf32>
        %get3A_376 = arith.index_cast %scan3A_55 : i32 to index
        %get3A_377 = arith.constant 64 : index
        %get3A_378 = tpu.vector_load %arg13[%get3A_376, %get3A_377] {strides = array<i32>} : memref<80x144xf32, #tpu.memory_space<vmem>>, vector<1x16xf32>,
        %get3A_379 = vector.shape_cast %get3A_378 : vector<1x16xf32> to vector<16xf32>
        %mul3A_380 = arith.mulf %exp3A_375, %get3A_379 : vector<16xf32>
        %swap3A_381 = arith.index_cast %scan3A_55 : i32 to index
        %swap3A_382 = arith.constant 64 : index
        %swap3A_383 = tpu.vector_load %arg13[%swap3A_381, %swap3A_382] {strides = array<i32>} : memref<80x144xf32, #tpu.memory_space<vmem>>, vector<1x16xf32>,
        %swap3A_384 = vector.shape_cast %swap3A_383 : vector<1x16xf32> to vector<16xf32>
        %swap3A_385 = vector.shape_cast %mul3A_380 : vector<16xf32> to vector<1x16xf32>
        tpu.vector_store %arg13[%swap3A_381, %swap3A_382], %swap3A_385 {strides = array<i32>} : memref<80x144xf32, #tpu.memory_space<vmem>>, vector<1x16xf32>,
        %eq3A_386 = arith.constant 4 : i32
        %eq3A_387 = vector.broadcast %eq3A_386 : i32 to vector<16xi32>
        %eq3A_388 = arith.cmpi eq, %iota3A, %eq3A_387 : vector<16xi32>
        %select_n3A_389 = arith.select %eq3A_388, %exp3A_375, %select_n3A_321 : vector<16xi1>, vector<16xf32>
        %get3A_390 = arith.index_cast %scan3A_55 : i32 to index
        %get3A_391 = arith.constant 80 : index
        %get3A_392 = tpu.vector_load %arg11[%get3A_390, %get3A_391] {strides = array<i32>} : memref<80x128xf32, #tpu.memory_space<vmem>>, vector<1x16xf32>,
        %get3A_393 = vector.shape_cast %get3A_392 : vector<1x16xf32> to vector<16xf32>
        %get3A_394 = arith.index_cast %scan3A_55 : i32 to index
        %get3A_395 = arith.constant 80 : index
        %get3A_396 = tpu.vector_load %arg12[%get3A_394, %get3A_395] {strides = array<i32>} : memref<80x128xf32, #tpu.memory_space<vmem>>, vector<1x16xf32>,
        %get3A_397 = vector.shape_cast %get3A_396 : vector<1x16xf32> to vector<16xf32>
        %mul3A_398 = arith.mulf %get3A_393, %get3A_397 : vector<16xf32>
        %lt3A_399 = arith.constant 0 : i32
        %lt3A_400 = vector.broadcast %lt3A_399 : i32 to vector<16xi32>
        %lt3A_401 = arith.cmpi slt, %xor3A_39, %lt3A_400 : vector<16xi32>
        %add3A_402 = arith.constant 16 : i32
        %add3A_403 = vector.broadcast %add3A_402 : i32 to vector<16xi32>
        %add3A_404 = arith.addi %xor3A_39, %add3A_403 : vector<16xi32>
        %select_n3A_405 = arith.select %lt3A_401, %add3A_404, %xor3A_39 : vector<16xi1>, vector<16xi32>
        %broadcast_in_dim3A_406 = vector.shape_cast %select_n3A_405 : vector<16xi32> to vector<16x1xi32>
        %gather3A_407 = vector.shape_cast %broadcast_in_dim3A_406 : vector<16x1xi32> to vector<16xi32>
        %gather3A_408 = tpu.dynamic_gather %mul3A_398[%gather3A_407] in [0] : vector<16xf32>, vector<16xi32> -> vector<16xf32>
        %add3A_409 = arith.addf %mul3A_398, %gather3A_408 : vector<16xf32>
        %lt3A_410 = arith.constant 0 : i32
        %lt3A_411 = vector.broadcast %lt3A_410 : i32 to vector<16xi32>
        %lt3A_412 = arith.cmpi slt, %xor3A_42, %lt3A_411 : vector<16xi32>
        %add3A_413 = arith.constant 16 : i32
        %add3A_414 = vector.broadcast %add3A_413 : i32 to vector<16xi32>
        %add3A_415 = arith.addi %xor3A_42, %add3A_414 : vector<16xi32>
        %select_n3A_416 = arith.select %lt3A_412, %add3A_415, %xor3A_42 : vector<16xi1>, vector<16xi32>
        %broadcast_in_dim3A_417 = vector.shape_cast %select_n3A_416 : vector<16xi32> to vector<16x1xi32>
        %gather3A_418 = vector.shape_cast %broadcast_in_dim3A_417 : vector<16x1xi32> to vector<16xi32>
        %gather3A_419 = tpu.dynamic_gather %add3A_409[%gather3A_418] in [0] : vector<16xf32>, vector<16xi32> -> vector<16xf32>
        %add3A_420 = arith.addf %add3A_409, %gather3A_419 : vector<16xf32>
        %lt3A_421 = arith.constant 0 : i32
        %lt3A_422 = vector.broadcast %lt3A_421 : i32 to vector<16xi32>
        %lt3A_423 = arith.cmpi slt, %xor3A_45, %lt3A_422 : vector<16xi32>
        %add3A_424 = arith.constant 16 : i32
        %add3A_425 = vector.broadcast %add3A_424 : i32 to vector<16xi32>
        %add3A_426 = arith.addi %xor3A_45, %add3A_425 : vector<16xi32>
        %select_n3A_427 = arith.select %lt3A_423, %add3A_426, %xor3A_45 : vector<16xi1>, vector<16xi32>
        %broadcast_in_dim3A_428 = vector.shape_cast %select_n3A_427 : vector<16xi32> to vector<16x1xi32>
        %gather3A_429 = vector.shape_cast %broadcast_in_dim3A_428 : vector<16x1xi32> to vector<16xi32>
        %gather3A_430 = tpu.dynamic_gather %add3A_420[%gather3A_429] in [0] : vector<16xf32>, vector<16xi32> -> vector<16xf32>
        %add3A_431 = arith.addf %add3A_420, %gather3A_430 : vector<16xf32>
        %lt3A_432 = arith.constant 0 : i32
        %lt3A_433 = vector.broadcast %lt3A_432 : i32 to vector<16xi32>
        %lt3A_434 = arith.cmpi slt, %xor3A_48, %lt3A_433 : vector<16xi32>
        %add3A_435 = arith.constant 16 : i32
        %add3A_436 = vector.broadcast %add3A_435 : i32 to vector<16xi32>
        %add3A_437 = arith.addi %xor3A_48, %add3A_436 : vector<16xi32>
        %select_n3A_438 = arith.select %lt3A_434, %add3A_437, %xor3A_48 : vector<16xi1>, vector<16xi32>
        %broadcast_in_dim3A_439 = vector.shape_cast %select_n3A_438 : vector<16xi32> to vector<16x1xi32>
        %gather3A_440 = vector.shape_cast %broadcast_in_dim3A_439 : vector<16x1xi32> to vector<16xi32>
        %gather3A_441 = tpu.dynamic_gather %add3A_431[%gather3A_440] in [0] : vector<16xf32>, vector<16xi32> -> vector<16xf32>
        %add3A_442 = arith.addf %add3A_431, %gather3A_441 : vector<16xf32>
        %exp3A_443 = math.exp %add3A_442 : vector<16xf32>
        %get3A_444 = arith.index_cast %scan3A_55 : i32 to index
        %get3A_445 = arith.constant 80 : index
        %get3A_446 = tpu.vector_load %arg13[%get3A_444, %get3A_445] {strides = array<i32>} : memref<80x144xf32, #tpu.memory_space<vmem>>, vector<1x16xf32>,
        %get3A_447 = vector.shape_cast %get3A_446 : vector<1x16xf32> to vector<16xf32>
        %mul3A_448 = arith.mulf %exp3A_443, %get3A_447 : vector<16xf32>
        %swap3A_449 = arith.index_cast %scan3A_55 : i32 to index
        %swap3A_450 = arith.constant 80 : index
        %swap3A_451 = tpu.vector_load %arg13[%swap3A_449, %swap3A_450] {strides = array<i32>} : memref<80x144xf32, #tpu.memory_space<vmem>>, vector<1x16xf32>,
        %swap3A_452 = vector.shape_cast %swap3A_451 : vector<1x16xf32> to vector<16xf32>
        %swap3A_453 = vector.shape_cast %mul3A_448 : vector<16xf32> to vector<1x16xf32>
        tpu.vector_store %arg13[%swap3A_449, %swap3A_450], %swap3A_453 {strides = array<i32>} : memref<80x144xf32, #tpu.memory_space<vmem>>, vector<1x16xf32>,
        %eq3A_454 = arith.constant 5 : i32
        %eq3A_455 = vector.broadcast %eq3A_454 : i32 to vector<16xi32>
        %eq3A_456 = arith.cmpi eq, %iota3A, %eq3A_455 : vector<16xi32>
        %select_n3A_457 = arith.select %eq3A_456, %exp3A_443, %select_n3A_389 : vector<16xi1>, vector<16xf32>
        %get3A_458 = arith.index_cast %scan3A_55 : i32 to index
        %get3A_459 = arith.constant 96 : index
        %get3A_460 = tpu.vector_load %arg11[%get3A_458, %get3A_459] {strides = array<i32>} : memref<80x128xf32, #tpu.memory_space<vmem>>, vector<1x16xf32>,
        %get3A_461 = vector.shape_cast %get3A_460 : vector<1x16xf32> to vector<16xf32>
        %get3A_462 = arith.index_cast %scan3A_55 : i32 to index
        %get3A_463 = arith.constant 96 : index
        %get3A_464 = tpu.vector_load %arg12[%get3A_462, %get3A_463] {strides = array<i32>} : memref<80x128xf32, #tpu.memory_space<vmem>>, vector<1x16xf32>,
        %get3A_465 = vector.shape_cast %get3A_464 : vector<1x16xf32> to vector<16xf32>
        %mul3A_466 = arith.mulf %get3A_461, %get3A_465 : vector<16xf32>
        %lt3A_467 = arith.constant 0 : i32
        %lt3A_468 = vector.broadcast %lt3A_467 : i32 to vector<16xi32>
        %lt3A_469 = arith.cmpi slt, %xor3A_39, %lt3A_468 : vector<16xi32>
        %add3A_470 = arith.constant 16 : i32
        %add3A_471 = vector.broadcast %add3A_470 : i32 to vector<16xi32>
        %add3A_472 = arith.addi %xor3A_39, %add3A_471 : vector<16xi32>
        %select_n3A_473 = arith.select %lt3A_469, %add3A_472, %xor3A_39 : vector<16xi1>, vector<16xi32>
        %broadcast_in_dim3A_474 = vector.shape_cast %select_n3A_473 : vector<16xi32> to vector<16x1xi32>
        %gather3A_475 = vector.shape_cast %broadcast_in_dim3A_474 : vector<16x1xi32> to vector<16xi32>
        %gather3A_476 = tpu.dynamic_gather %mul3A_466[%gather3A_475] in [0] : vector<16xf32>, vector<16xi32> -> vector<16xf32>
        %add3A_477 = arith.addf %mul3A_466, %gather3A_476 : vector<16xf32>
        %lt3A_478 = arith.constant 0 : i32
        %lt3A_479 = vector.broadcast %lt3A_478 : i32 to vector<16xi32>
        %lt3A_480 = arith.cmpi slt, %xor3A_42, %lt3A_479 : vector<16xi32>
        %add3A_481 = arith.constant 16 : i32
        %add3A_482 = vector.broadcast %add3A_481 : i32 to vector<16xi32>
        %add3A_483 = arith.addi %xor3A_42, %add3A_482 : vector<16xi32>
        %select_n3A_484 = arith.select %lt3A_480, %add3A_483, %xor3A_42 : vector<16xi1>, vector<16xi32>
        %broadcast_in_dim3A_485 = vector.shape_cast %select_n3A_484 : vector<16xi32> to vector<16x1xi32>
        %gather3A_486 = vector.shape_cast %broadcast_in_dim3A_485 : vector<16x1xi32> to vector<16xi32>
        %gather3A_487 = tpu.dynamic_gather %add3A_477[%gather3A_486] in [0] : vector<16xf32>, vector<16xi32> -> vector<16xf32>
        %add3A_488 = arith.addf %add3A_477, %gather3A_487 : vector<16xf32>
        %lt3A_489 = arith.constant 0 : i32
        %lt3A_490 = vector.broadcast %lt3A_489 : i32 to vector<16xi32>
        %lt3A_491 = arith.cmpi slt, %xor3A_45, %lt3A_490 : vector<16xi32>
        %add3A_492 = arith.constant 16 : i32
        %add3A_493 = vector.broadcast %add3A_492 : i32 to vector<16xi32>
        %add3A_494 = arith.addi %xor3A_45, %add3A_493 : vector<16xi32>
        %select_n3A_495 = arith.select %lt3A_491, %add3A_494, %xor3A_45 : vector<16xi1>, vector<16xi32>
        %broadcast_in_dim3A_496 = vector.shape_cast %select_n3A_495 : vector<16xi32> to vector<16x1xi32>
        %gather3A_497 = vector.shape_cast %broadcast_in_dim3A_496 : vector<16x1xi32> to vector<16xi32>
        %gather3A_498 = tpu.dynamic_gather %add3A_488[%gather3A_497] in [0] : vector<16xf32>, vector<16xi32> -> vector<16xf32>
        %add3A_499 = arith.addf %add3A_488, %gather3A_498 : vector<16xf32>
        %lt3A_500 = arith.constant 0 : i32
        %lt3A_501 = vector.broadcast %lt3A_500 : i32 to vector<16xi32>
        %lt3A_502 = arith.cmpi slt, %xor3A_48, %lt3A_501 : vector<16xi32>
        %add3A_503 = arith.constant 16 : i32
        %add3A_504 = vector.broadcast %add3A_503 : i32 to vector<16xi32>
        %add3A_505 = arith.addi %xor3A_48, %add3A_504 : vector<16xi32>
        %select_n3A_506 = arith.select %lt3A_502, %add3A_505, %xor3A_48 : vector<16xi1>, vector<16xi32>
        %broadcast_in_dim3A_507 = vector.shape_cast %select_n3A_506 : vector<16xi32> to vector<16x1xi32>
        %gather3A_508 = vector.shape_cast %broadcast_in_dim3A_507 : vector<16x1xi32> to vector<16xi32>
        %gather3A_509 = tpu.dynamic_gather %add3A_499[%gather3A_508] in [0] : vector<16xf32>, vector<16xi32> -> vector<16xf32>
        %add3A_510 = arith.addf %add3A_499, %gather3A_509 : vector<16xf32>
        %exp3A_511 = math.exp %add3A_510 : vector<16xf32>
        %get3A_512 = arith.index_cast %scan3A_55 : i32 to index
        %get3A_513 = arith.constant 96 : index
        %get3A_514 = tpu.vector_load %arg13[%get3A_512, %get3A_513] {strides = array<i32>} : memref<80x144xf32, #tpu.memory_space<vmem>>, vector<1x16xf32>,
        %get3A_515 = vector.shape_cast %get3A_514 : vector<1x16xf32> to vector<16xf32>
        %mul3A_516 = arith.mulf %exp3A_511, %get3A_515 : vector<16xf32>
        %swap3A_517 = arith.index_cast %scan3A_55 : i32 to index
        %swap3A_518 = arith.constant 96 : index
        %swap3A_519 = tpu.vector_load %arg13[%swap3A_517, %swap3A_518] {strides = array<i32>} : memref<80x144xf32, #tpu.memory_space<vmem>>, vector<1x16xf32>,
        %swap3A_520 = vector.shape_cast %swap3A_519 : vector<1x16xf32> to vector<16xf32>
        %swap3A_521 = vector.shape_cast %mul3A_516 : vector<16xf32> to vector<1x16xf32>
        tpu.vector_store %arg13[%swap3A_517, %swap3A_518], %swap3A_521 {strides = array<i32>} : memref<80x144xf32, #tpu.memory_space<vmem>>, vector<1x16xf32>,
        %eq3A_522 = arith.constant 6 : i32
        %eq3A_523 = vector.broadcast %eq3A_522 : i32 to vector<16xi32>
        %eq3A_524 = arith.cmpi eq, %iota3A, %eq3A_523 : vector<16xi32>
        %select_n3A_525 = arith.select %eq3A_524, %exp3A_511, %select_n3A_457 : vector<16xi1>, vector<16xf32>
        %get3A_526 = arith.index_cast %scan3A_55 : i32 to index
        %get3A_527 = arith.constant 112 : index
        %get3A_528 = tpu.vector_load %arg11[%get3A_526, %get3A_527] {strides = array<i32>} : memref<80x128xf32, #tpu.memory_space<vmem>>, vector<1x16xf32>,
        %get3A_529 = vector.shape_cast %get3A_528 : vector<1x16xf32> to vector<16xf32>
        %get3A_530 = arith.index_cast %scan3A_55 : i32 to index
        %get3A_531 = arith.constant 112 : index
        %get3A_532 = tpu.vector_load %arg12[%get3A_530, %get3A_531] {strides = array<i32>} : memref<80x128xf32, #tpu.memory_space<vmem>>, vector<1x16xf32>,
        %get3A_533 = vector.shape_cast %get3A_532 : vector<1x16xf32> to vector<16xf32>
        %mul3A_534 = arith.mulf %get3A_529, %get3A_533 : vector<16xf32>
        %lt3A_535 = arith.constant 0 : i32
        %lt3A_536 = vector.broadcast %lt3A_535 : i32 to vector<16xi32>
        %lt3A_537 = arith.cmpi slt, %xor3A_39, %lt3A_536 : vector<16xi32>
        %add3A_538 = arith.constant 16 : i32
        %add3A_539 = vector.broadcast %add3A_538 : i32 to vector<16xi32>
        %add3A_540 = arith.addi %xor3A_39, %add3A_539 : vector<16xi32>
        %select_n3A_541 = arith.select %lt3A_537, %add3A_540, %xor3A_39 : vector<16xi1>, vector<16xi32>
        %broadcast_in_dim3A_542 = vector.shape_cast %select_n3A_541 : vector<16xi32> to vector<16x1xi32>
        %gather3A_543 = vector.shape_cast %broadcast_in_dim3A_542 : vector<16x1xi32> to vector<16xi32>
        %gather3A_544 = tpu.dynamic_gather %mul3A_534[%gather3A_543] in [0] : vector<16xf32>, vector<16xi32> -> vector<16xf32>
        %add3A_545 = arith.addf %mul3A_534, %gather3A_544 : vector<16xf32>
        %lt3A_546 = arith.constant 0 : i32
        %lt3A_547 = vector.broadcast %lt3A_546 : i32 to vector<16xi32>
        %lt3A_548 = arith.cmpi slt, %xor3A_42, %lt3A_547 : vector<16xi32>
        %add3A_549 = arith.constant 16 : i32
        %add3A_550 = vector.broadcast %add3A_549 : i32 to vector<16xi32>
        %add3A_551 = arith.addi %xor3A_42, %add3A_550 : vector<16xi32>
        %select_n3A_552 = arith.select %lt3A_548, %add3A_551, %xor3A_42 : vector<16xi1>, vector<16xi32>
        %broadcast_in_dim3A_553 = vector.shape_cast %select_n3A_552 : vector<16xi32> to vector<16x1xi32>
        %gather3A_554 = vector.shape_cast %broadcast_in_dim3A_553 : vector<16x1xi32> to vector<16xi32>
        %gather3A_555 = tpu.dynamic_gather %add3A_545[%gather3A_554] in [0] : vector<16xf32>, vector<16xi32> -> vector<16xf32>
        %add3A_556 = arith.addf %add3A_545, %gather3A_555 : vector<16xf32>
        %lt3A_557 = arith.constant 0 : i32
        %lt3A_558 = vector.broadcast %lt3A_557 : i32 to vector<16xi32>
        %lt3A_559 = arith.cmpi slt, %xor3A_45, %lt3A_558 : vector<16xi32>
        %add3A_560 = arith.constant 16 : i32
        %add3A_561 = vector.broadcast %add3A_560 : i32 to vector<16xi32>
        %add3A_562 = arith.addi %xor3A_45, %add3A_561 : vector<16xi32>
        %select_n3A_563 = arith.select %lt3A_559, %add3A_562, %xor3A_45 : vector<16xi1>, vector<16xi32>
        %broadcast_in_dim3A_564 = vector.shape_cast %select_n3A_563 : vector<16xi32> to vector<16x1xi32>
        %gather3A_565 = vector.shape_cast %broadcast_in_dim3A_564 : vector<16x1xi32> to vector<16xi32>
        %gather3A_566 = tpu.dynamic_gather %add3A_556[%gather3A_565] in [0] : vector<16xf32>, vector<16xi32> -> vector<16xf32>
        %add3A_567 = arith.addf %add3A_556, %gather3A_566 : vector<16xf32>
        %lt3A_568 = arith.constant 0 : i32
        %lt3A_569 = vector.broadcast %lt3A_568 : i32 to vector<16xi32>
        %lt3A_570 = arith.cmpi slt, %xor3A_48, %lt3A_569 : vector<16xi32>
        %add3A_571 = arith.constant 16 : i32
        %add3A_572 = vector.broadcast %add3A_571 : i32 to vector<16xi32>
        %add3A_573 = arith.addi %xor3A_48, %add3A_572 : vector<16xi32>
        %select_n3A_574 = arith.select %lt3A_570, %add3A_573, %xor3A_48 : vector<16xi1>, vector<16xi32>
        %broadcast_in_dim3A_575 = vector.shape_cast %select_n3A_574 : vector<16xi32> to vector<16x1xi32>
        %gather3A_576 = vector.shape_cast %broadcast_in_dim3A_575 : vector<16x1xi32> to vector<16xi32>
        %gather3A_577 = tpu.dynamic_gather %add3A_567[%gather3A_576] in [0] : vector<16xf32>, vector<16xi32> -> vector<16xf32>
        %add3A_578 = arith.addf %add3A_567, %gather3A_577 : vector<16xf32>
        %exp3A_579 = math.exp %add3A_578 : vector<16xf32>
        %get3A_580 = arith.index_cast %scan3A_55 : i32 to index
        %get3A_581 = arith.constant 112 : index
        %get3A_582 = tpu.vector_load %arg13[%get3A_580, %get3A_581] {strides = array<i32>} : memref<80x144xf32, #tpu.memory_space<vmem>>, vector<1x16xf32>,
        %get3A_583 = vector.shape_cast %get3A_582 : vector<1x16xf32> to vector<16xf32>
        %mul3A_584 = arith.mulf %exp3A_579, %get3A_583 : vector<16xf32>
        %swap3A_585 = arith.index_cast %scan3A_55 : i32 to index
        %swap3A_586 = arith.constant 112 : index
        %swap3A_587 = tpu.vector_load %arg13[%swap3A_585, %swap3A_586] {strides = array<i32>} : memref<80x144xf32, #tpu.memory_space<vmem>>, vector<1x16xf32>,
        %swap3A_588 = vector.shape_cast %swap3A_587 : vector<1x16xf32> to vector<16xf32>
        %swap3A_589 = vector.shape_cast %mul3A_584 : vector<16xf32> to vector<1x16xf32>
        tpu.vector_store %arg13[%swap3A_585, %swap3A_586], %swap3A_589 {strides = array<i32>} : memref<80x144xf32, #tpu.memory_space<vmem>>, vector<1x16xf32>,
        %eq3A_590 = arith.constant 7 : i32
        %eq3A_591 = vector.broadcast %eq3A_590 : i32 to vector<16xi32>
        %eq3A_592 = arith.cmpi eq, %iota3A, %eq3A_591 : vector<16xi32>
        %select_n3A_593 = arith.select %eq3A_592, %exp3A_579, %select_n3A_525 : vector<16xi1>, vector<16xf32>
        %get3A_594 = arith.index_cast %scan3A_55 : i32 to index
        %get3A_595 = arith.constant 128 : index
        %get3A_596 = tpu.vector_load %arg13[%get3A_594, %get3A_595] {strides = array<i32>} : memref<80x144xf32, #tpu.memory_space<vmem>>, vector<1x16xf32>,
        %get3A_597 = vector.shape_cast %get3A_596 : vector<1x16xf32> to vector<16xf32>
        %mul3A_598 = arith.mulf %select_n3A_593, %get3A_597 : vector<16xf32>
        %swap3A_599 = arith.index_cast %scan3A_55 : i32 to index
        %swap3A_600 = arith.constant 128 : index
        %swap3A_601 = tpu.vector_load %arg13[%swap3A_599, %swap3A_600] {strides = array<i32>} : memref<80x144xf32, #tpu.memory_space<vmem>>, vector<1x16xf32>,
        %swap3A_602 = vector.shape_cast %swap3A_601 : vector<1x16xf32> to vector<16xf32>
        %swap3A_603 = vector.shape_cast %mul3A_598 : vector<16xf32> to vector<1x16xf32>
        tpu.vector_store %arg13[%swap3A_599, %swap3A_600], %swap3A_603 {strides = array<i32>} : memref<80x144xf32, #tpu.memory_space<vmem>>, vector<1x16xf32>,
      }
      %scan3A_54 = arith.constant 80 : i32
      "tpu.region"() ({
        %run_scoped3A = tpu.sem_alloc : memref<!tpu.dma_semaphore, #tpu.memory_space<semaphore_mem>>
        %dma_start3A_55 = arith.constant 0 : i32
        %dma_start3A_56 = arith.constant 0 : i32
        %dma_start3A_57 = tpu.memref_slice %arg14[%dma_start3A_55, %dma_start3A_56] : memref<10240x144xf32, #tpu.memory_space<vmem_shared>> -> memref<10240x144xf32, #tpu.memory_space<vmem_shared>>
        tpu.enqueue_indirect_dma source(%arg13 : memref<80x144xf32, #tpu.memory_space<vmem>>) target(%dma_start3A_57 : memref<10240x144xf32, #tpu.memory_space<vmem_shared>>) offsets(%arg10 : memref<80xi32, #tpu.memory_space<vmem>>) semaphore(%run_scoped3A : memref<!tpu.dma_semaphore, #tpu.memory_space<semaphore_mem>>) {add = true}
        %dma_wait3A_58 = arith.constant 0 : i32
        %dma_wait3A_59 = arith.constant 0 : i32
        %dma_wait3A_60 = tpu.memref_slice %arg14[%dma_wait3A_58, %dma_wait3A_59] : memref<10240x144xf32, #tpu.memory_space<vmem_shared>> -> memref<10240x144xf32, #tpu.memory_space<vmem_shared>>
        tpu.wait_indirect_dma semaphore(%run_scoped3A : memref<!tpu.dma_semaphore, #tpu.memory_space<semaphore_mem>>) src(%arg13 : memref<80x144xf32, #tpu.memory_space<vmem>>) dst(%dma_wait3A_60 : memref<10240x144xf32, #tpu.memory_space<vmem_shared>>)
        tpu.yield
      }) : () -> ()
    }
    %scan3A_7 = arith.constant 125 : i32
    %barrier3A_8 = arith.constant 0 : index
    tpu.barrier barrier_id(%barrier3A_8)
    %mul3A_9 = arith.constant 640 : i32
    %mul3A_10 = arith.muli %arg1, %mul3A_9 : i32
    %mul3A_11 = arith.constant 10240 : i32
    %mul3A_12 = arith.muli %arg0, %mul3A_11 : i32
    %mul3A_13 = arith.constant 640 : i32
    %mul3A_14 = arith.muli %arg1, %mul3A_13 : i32
    %add3A_15 = arith.addi %mul3A_12, %mul3A_14 : i32
    "tpu.region"() ({
      %run_scoped3A = tpu.sem_alloc : memref<!tpu.dma_semaphore, #tpu.memory_space<semaphore_mem>>
      %dma_start3A = arith.constant 0 : i32
      %dma_start3A_16 = tpu.memref_slice %arg8[%add3A_15, %dma_start3A] : memref<20480x144xf32, #tpu.memory_space<hbm>> -> memref<640x144xf32, #tpu.memory_space<hbm>>
      %dma_start3A_17 = arith.constant 0 : i32
      %dma_start3A_18 = tpu.memref_slice %arg14[%mul3A_10, %dma_start3A_17] : memref<10240x144xf32, #tpu.memory_space<vmem_shared>> -> memref<640x144xf32, #tpu.memory_space<vmem_shared>>
      tpu.enqueue_dma source(%dma_start3A_18 : memref<640x144xf32, #tpu.memory_space<vmem_shared>>) target(%dma_start3A_16 : memref<640x144xf32, #tpu.memory_space<hbm>>) target_semaphore(%run_scoped3A : memref<!tpu.dma_semaphore, #tpu.memory_space<semaphore_mem>>)
      %dma_wait3A = arith.constant 0 : i32
      %dma_wait3A_19 = tpu.memref_slice %arg8[%add3A_15, %dma_wait3A] : memref<20480x144xf32, #tpu.memory_space<hbm>> -> memref<640x144xf32, #tpu.memory_space<hbm>>
      %dma_wait3A_20 = arith.constant 0 : i32
      %dma_wait3A_21 = tpu.memref_slice %arg14[%mul3A_10, %dma_wait3A_20] : memref<10240x144xf32, #tpu.memory_space<vmem_shared>> -> memref<640x144xf32, #tpu.memory_space<vmem_shared>>
      tpu.wait_dma2 semaphore(%run_scoped3A : memref<!tpu.dma_semaphore, #tpu.memory_space<semaphore_mem>>) src(%dma_wait3A_21 : memref<640x144xf32, #tpu.memory_space<vmem_shared>>) dst(%dma_wait3A_19 : memref<640x144xf32, #tpu.memory_space<hbm>>)
      tpu.yield
    }) : () -> ()
    return
  }
}

module attributes {stable_mosaic.version = 14 : i64} {
  func.func @_proj_body(%arg0: i32, %arg1: memref<1000x128xf32, #tpu.memory_space<vmem>>, %arg2: memref<1000x1xf32, #tpu.memory_space<vmem>>, %arg3: memref<128x128xf32, #tpu.memory_space<vmem>>, %arg4: memref<1x128xf32, #tpu.memory_space<vmem>>, %arg5: memref<128x128xf32, #tpu.memory_space<vmem>>, %arg6: memref<1x128xf32, #tpu.memory_space<vmem>>, %arg7: memref<128x128xf32, #tpu.memory_space<vmem>>, %arg8: memref<1x128xf32, #tpu.memory_space<vmem>>, %arg9: memref<1000x128xf32, #tpu.memory_space<vmem>>, %arg10: memref<1000x128xf32, #tpu.memory_space<vmem>>, %arg11: memref<1000x144xf32, #tpu.memory_space<vmem>>) attributes {dimension_semantics = [#tpu.dimension_semantics<arbitrary>], iteration_bounds = array<i64: 10>, scalar_prefetch = 0 : i64, scratch_operands = 0 : i64, tpu.core_type = #tpu.core_type<tc>, window_params = [{transform_indices = @transform_0, window_bounds = array<i64: 1000, 128>}, {transform_indices = @transform_1, window_bounds = array<i64: 1000, 1>}, {pipeline_mode = #tpu.pipeline_mode<synchronous>, transform_indices = @transform_2, window_bounds = array<i64: 128, 128>}, {pipeline_mode = #tpu.pipeline_mode<synchronous>, transform_indices = @transform_3, window_bounds = array<i64: 1, 128>}, {pipeline_mode = #tpu.pipeline_mode<synchronous>, transform_indices = @transform_4, window_bounds = array<i64: 128, 128>}, {pipeline_mode = #tpu.pipeline_mode<synchronous>, transform_indices = @transform_5, window_bounds = array<i64: 1, 128>}, {pipeline_mode = #tpu.pipeline_mode<synchronous>, transform_indices = @transform_6, window_bounds = array<i64: 128, 128>}, {pipeline_mode = #tpu.pipeline_mode<synchronous>, transform_indices = @transform_7, window_bounds = array<i64: 1, 128>}, {transform_indices = @transform_8, window_bounds = array<i64: 1000, 128>}, {transform_indices = @transform_9, window_bounds = array<i64: 1000, 128>}, {transform_indices = @transform_10, window_bounds = array<i64: 1000, 144>}]} {
    %get3A = arith.constant 0 : index
    %get3A_0 = arith.constant 0 : index
    %get3A_1 = vector.load %arg1[%get3A, %get3A_0] : memref<1000x128xf32, #tpu.memory_space<vmem>>, vector<1000x128xf32>
    %get3A_2 = arith.constant 0 : index
    %get3A_3 = arith.constant 0 : index
    %get3A_4 = vector.load %arg3[%get3A_2, %get3A_3] : memref<128x128xf32, #tpu.memory_space<vmem>>, vector<128x128xf32>
    %dot_general3A = arith.constant dense<0.000000e+00> : vector<1000x128xf32>
    %dot_general3A_5 = tpu.matmul %get3A_1, %get3A_4, %dot_general3A {dimension_numbers = #tpu.dot_dimension_numbers<[1], [0], [0], [1], [0, 0, 1, 1], [], []>, transpose_lhs_hint = false} : vector<1000x128xf32>, vector<128x128xf32>, vector<1000x128xf32> -> vector<1000x128xf32>
    %get3A_6 = arith.constant 0 : index
    %get3A_7 = arith.constant 0 : index
    %get3A_8 = vector.load %arg4[%get3A_6, %get3A_7] : memref<1x128xf32, #tpu.memory_space<vmem>>, vector<1x128xf32>
    %add3A = vector.broadcast %get3A_8 : vector<1x128xf32> to vector<1000x128xf32>
    %add3A_9 = arith.addf %dot_general3A_5, %add3A : vector<1000x128xf32>
    %mul3A = arith.constant 2.500000e-01 : f32
    %mul3A_10 = vector.broadcast %mul3A : f32 to vector<1000x128xf32>
    %mul3A_11 = arith.mulf %add3A_9, %mul3A_10 : vector<1000x128xf32>
    %swap3A = arith.constant 0 : index
    %swap3A_12 = arith.constant 0 : index
    %swap3A_13 = vector.load %arg9[%swap3A, %swap3A_12] : memref<1000x128xf32, #tpu.memory_space<vmem>>, vector<1000x128xf32>
    tpu.vector_store %arg9[%swap3A, %swap3A_12], %mul3A_11 {strides = array<i32>} : memref<1000x128xf32, #tpu.memory_space<vmem>>, vector<1000x128xf32>,
    %get3A_14 = arith.constant 0 : index
    %get3A_15 = arith.constant 0 : index
    %get3A_16 = vector.load %arg5[%get3A_14, %get3A_15] : memref<128x128xf32, #tpu.memory_space<vmem>>, vector<128x128xf32>
    %dot_general3A_17 = arith.constant dense<0.000000e+00> : vector<1000x128xf32>
    %dot_general3A_18 = tpu.matmul %get3A_1, %get3A_16, %dot_general3A_17 {dimension_numbers = #tpu.dot_dimension_numbers<[1], [0], [0], [1], [0, 0, 1, 1], [], []>, transpose_lhs_hint = false} : vector<1000x128xf32>, vector<128x128xf32>, vector<1000x128xf32> -> vector<1000x128xf32>
    %get3A_19 = arith.constant 0 : index
    %get3A_20 = arith.constant 0 : index
    %get3A_21 = vector.load %arg6[%get3A_19, %get3A_20] : memref<1x128xf32, #tpu.memory_space<vmem>>, vector<1x128xf32>
    %add3A_22 = vector.broadcast %get3A_21 : vector<1x128xf32> to vector<1000x128xf32>
    %add3A_23 = arith.addf %dot_general3A_18, %add3A_22 : vector<1000x128xf32>
    %swap3A_24 = arith.constant 0 : index
    %swap3A_25 = arith.constant 0 : index
    %swap3A_26 = vector.load %arg10[%swap3A_24, %swap3A_25] : memref<1000x128xf32, #tpu.memory_space<vmem>>, vector<1000x128xf32>
    tpu.vector_store %arg10[%swap3A_24, %swap3A_25], %add3A_23 {strides = array<i32>} : memref<1000x128xf32, #tpu.memory_space<vmem>>, vector<1000x128xf32>,
    %get3A_27 = arith.constant 0 : index
    %get3A_28 = arith.constant 0 : index
    %get3A_29 = vector.load %arg7[%get3A_27, %get3A_28] : memref<128x128xf32, #tpu.memory_space<vmem>>, vector<128x128xf32>
    %dot_general3A_30 = arith.constant dense<0.000000e+00> : vector<1000x128xf32>
    %dot_general3A_31 = tpu.matmul %get3A_1, %get3A_29, %dot_general3A_30 {dimension_numbers = #tpu.dot_dimension_numbers<[1], [0], [0], [1], [0, 0, 1, 1], [], []>, transpose_lhs_hint = false} : vector<1000x128xf32>, vector<128x128xf32>, vector<1000x128xf32> -> vector<1000x128xf32>
    %get3A_32 = arith.constant 0 : index
    %get3A_33 = arith.constant 0 : index
    %get3A_34 = vector.load %arg8[%get3A_32, %get3A_33] : memref<1x128xf32, #tpu.memory_space<vmem>>, vector<1x128xf32>
    %add3A_35 = vector.broadcast %get3A_34 : vector<1x128xf32> to vector<1000x128xf32>
    %add3A_36 = arith.addf %dot_general3A_31, %add3A_35 : vector<1000x128xf32>
    %get3A_37 = arith.constant 0 : index
    %get3A_38 = arith.constant 0 : index
    %get3A_39 = vector.load %arg2[%get3A_37, %get3A_38] : memref<1000x1xf32, #tpu.memory_space<vmem>>, vector<1000x1xf32>
    %jit3A = arith.constant 9.99999993E-9 : f32
    %max3A = vector.broadcast %jit3A : f32 to vector<1000x1xf32>
    %max3A_40 = arith.maximumf %max3A, %get3A_39 : vector<1000x1xf32>
    %log3A = math.log %max3A_40 : vector<1000x1xf32>
    %mul3A_41 = arith.constant 2.500000e-01 : f32
    %mul3A_42 = vector.broadcast %mul3A_41 : f32 to vector<1000x1xf32>
    %mul3A_43 = arith.mulf %mul3A_42, %log3A : vector<1000x1xf32>
    %exp3A = math.exp %mul3A_43 : vector<1000x1xf32>
    %mul3A_44 = vector.broadcast %exp3A : vector<1000x1xf32> to vector<1000x128xf32>
    %mul3A_45 = arith.mulf %add3A_36, %mul3A_44 : vector<1000x128xf32>
    %broadcast_in_dim3A = vector.shape_cast %exp3A : vector<1000x1xf32> to vector<1000x1xf32>
    %broadcast_in_dim3A_46 = vector.broadcast %broadcast_in_dim3A : vector<1000x1xf32> to vector<1000x16xf32>
    %concatenate3A = tpu.concatenate %mul3A_45, %broadcast_in_dim3A_46 in 1 : vector<1000x128xf32>, vector<1000x16xf32> -> vector<1000x144xf32>
    %swap3A_47 = arith.constant 0 : index
    %swap3A_48 = arith.constant 0 : index
    %swap3A_49 = vector.load %arg11[%swap3A_47, %swap3A_48] : memref<1000x144xf32, #tpu.memory_space<vmem>>, vector<1000x144xf32>
    tpu.vector_store %arg11[%swap3A_47, %swap3A_48], %concatenate3A {strides = array<i32>} : memref<1000x144xf32, #tpu.memory_space<vmem>>, vector<1000x144xf32>,
    return
  }
  func.func @transform_0(%arg0: i32) -> (i32, i32) {
    %c0_i32 = arith.constant 0 : i32
    %c0_i32_0 = arith.constant 0 : i32
    return %arg0, %c0_i32 : i32, i32
  }
  func.func @transform_1(%arg0: i32) -> (i32, i32) {
    %c0_i32 = arith.constant 0 : i32
    %c0_i32_0 = arith.constant 0 : i32
    return %arg0, %c0_i32 : i32, i32
  }
  func.func @transform_2(%arg0: i32) -> (i32, i32) {
    %c0_i32 = arith.constant 0 : i32
    %c0_i32_0 = arith.constant 0 : i32
    %c0_i32_1 = arith.constant 0 : i32
    return %c0_i32, %c0_i32_0 : i32, i32
  }
  func.func @transform_3(%arg0: i32) -> (i32, i32) {
    %c0_i32 = arith.constant 0 : i32
    %c0_i32_0 = arith.constant 0 : i32
    %c0_i32_1 = arith.constant 0 : i32
    return %c0_i32, %c0_i32_0 : i32, i32
  }
  func.func @transform_4(%arg0: i32) -> (i32, i32) {
    %c0_i32 = arith.constant 0 : i32
    %c0_i32_0 = arith.constant 0 : i32
    %c0_i32_1 = arith.constant 0 : i32
    return %c0_i32, %c0_i32_0 : i32, i32
  }
  func.func @transform_5(%arg0: i32) -> (i32, i32) {
    %c0_i32 = arith.constant 0 : i32
    %c0_i32_0 = arith.constant 0 : i32
    %c0_i32_1 = arith.constant 0 : i32
    return %c0_i32, %c0_i32_0 : i32, i32
  }
  func.func @transform_6(%arg0: i32) -> (i32, i32) {
    %c0_i32 = arith.constant 0 : i32
    %c0_i32_0 = arith.constant 0 : i32
    %c0_i32_1 = arith.constant 0 : i32
    return %c0_i32, %c0_i32_0 : i32, i32
  }
  func.func @transform_7(%arg0: i32) -> (i32, i32) {
    %c0_i32 = arith.constant 0 : i32
    %c0_i32_0 = arith.constant 0 : i32
    %c0_i32_1 = arith.constant 0 : i32
    return %c0_i32, %c0_i32_0 : i32, i32
  }
  func.func @transform_8(%arg0: i32) -> (i32, i32) {
    %c0_i32 = arith.constant 0 : i32
    %c0_i32_0 = arith.constant 0 : i32
    return %arg0, %c0_i32 : i32, i32
  }
  func.func @transform_9(%arg0: i32) -> (i32, i32) {
    %c0_i32 = arith.constant 0 : i32
    %c0_i32_0 = arith.constant 0 : i32
    return %arg0, %c0_i32 : i32, i32
  }
  func.func @transform_10(%arg0: i32) -> (i32, i32) {
    %c0_i32 = arith.constant 0 : i32
    %c0_i32_0 = arith.constant 0 : i32
    return %arg0, %c0_i32 : i32, i32
  }
}

module attributes {stable_mosaic.version = 14 : i64} {
  func.func @_final_body(%arg0: i32, %arg1: memref<1000x144xf32, #tpu.memory_space<vmem>>, %arg2: memref<1000x144xf32, #tpu.memory_space<vmem>>, %arg3: memref<1000x128xf32, #tpu.memory_space<vmem>>, %arg4: memref<128x128xf32, #tpu.memory_space<vmem>>, %arg5: memref<1x128xf32, #tpu.memory_space<vmem>>, %arg6: memref<128x256xf32, #tpu.memory_space<vmem>>, %arg7: memref<1x256xf32, #tpu.memory_space<vmem>>, %arg8: memref<256x128xf32, #tpu.memory_space<vmem>>, %arg9: memref<1x128xf32, #tpu.memory_space<vmem>>, %arg10: memref<1000x128xf32, #tpu.memory_space<vmem>>) attributes {dimension_semantics = [#tpu.dimension_semantics<arbitrary>], iteration_bounds = array<i64: 10>, scalar_prefetch = 0 : i64, scratch_operands = 0 : i64, tpu.core_type = #tpu.core_type<tc>, window_params = [{transform_indices = @transform_0, window_bounds = array<i64: 1000, 144>}, {transform_indices = @transform_1, window_bounds = array<i64: 1000, 144>}, {transform_indices = @transform_2, window_bounds = array<i64: 1000, 128>}, {pipeline_mode = #tpu.pipeline_mode<synchronous>, transform_indices = @transform_3, window_bounds = array<i64: 128, 128>}, {pipeline_mode = #tpu.pipeline_mode<synchronous>, transform_indices = @transform_4, window_bounds = array<i64: 1, 128>}, {pipeline_mode = #tpu.pipeline_mode<synchronous>, transform_indices = @transform_5, window_bounds = array<i64: 128, 256>}, {pipeline_mode = #tpu.pipeline_mode<synchronous>, transform_indices = @transform_6, window_bounds = array<i64: 1, 256>}, {pipeline_mode = #tpu.pipeline_mode<synchronous>, transform_indices = @transform_7, window_bounds = array<i64: 256, 128>}, {pipeline_mode = #tpu.pipeline_mode<synchronous>, transform_indices = @transform_8, window_bounds = array<i64: 1, 128>}, {transform_indices = @transform_9, window_bounds = array<i64: 1000, 128>}]} {
    %get3A = arith.constant 0 : index
    %get3A_0 = arith.constant 0 : index
    %get3A_1 = vector.load %arg1[%get3A, %get3A_0] : memref<1000x144xf32, #tpu.memory_space<vmem>>, vector<1000x128xf32>
    %get3A_2 = arith.constant 0 : index
    %get3A_3 = arith.constant 0 : index
    %get3A_4 = vector.load %arg2[%get3A_2, %get3A_3] : memref<1000x144xf32, #tpu.memory_space<vmem>>, vector<1000x128xf32>
    %add3A = arith.addf %get3A_1, %get3A_4 : vector<1000x128xf32>
    %get3A_5 = arith.constant 0 : index
    %get3A_6 = arith.constant 128 : index
    %get3A_7 = vector.load %arg1[%get3A_5, %get3A_6] : memref<1000x144xf32, #tpu.memory_space<vmem>>, vector<1000x8xf32>
    %get3A_8 = arith.constant 0 : index
    %get3A_9 = arith.constant 128 : index
    %get3A_10 = vector.load %arg2[%get3A_8, %get3A_9] : memref<1000x144xf32, #tpu.memory_space<vmem>>, vector<1000x8xf32>
    %add3A_11 = arith.addf %get3A_7, %get3A_10 : vector<1000x8xf32>
    %eq3A = arith.constant 0.000000e+00 : f32
    %eq3A_12 = vector.broadcast %eq3A : f32 to vector<1000x8xf32>
    %eq3A_13 = arith.cmpf oeq, %add3A_11, %eq3A_12 : vector<1000x8xf32>
    %jit3A = arith.constant 1.000000e+00 : f32
    %broadcast_in_dim3A = vector.broadcast %jit3A : f32 to vector<1000x8xf32>
    %select_n3A = arith.select %eq3A_13, %broadcast_in_dim3A, %add3A_11 : vector<1000x8xi1>, vector<1000x8xf32>
    %slice3A = vector.extract_strided_slice %add3A {offsets = [0, 0], sizes = [1000, 16], strides = [1, 1]} : vector<1000x128xf32> to vector<1000x16xf32>
    %slice3A_14 = vector.extract_strided_slice %select_n3A {offsets = [0, 0], sizes = [1000, 1], strides = [1, 1]} : vector<1000x8xf32> to vector<1000x1xf32>
    %div3A = vector.broadcast %slice3A_14 : vector<1000x1xf32> to vector<1000x16xf32>
    %div3A_15 = arith.divf %slice3A, %div3A : vector<1000x16xf32>
    %slice3A_16 = vector.extract_strided_slice %add3A {offsets = [0, 16], sizes = [1000, 16], strides = [1, 1]} : vector<1000x128xf32> to vector<1000x16xf32>
    %slice3A_17 = vector.extract_strided_slice %select_n3A {offsets = [0, 1], sizes = [1000, 1], strides = [1, 1]} : vector<1000x8xf32> to vector<1000x1xf32>
    %div3A_18 = vector.broadcast %slice3A_17 : vector<1000x1xf32> to vector<1000x16xf32>
    %div3A_19 = arith.divf %slice3A_16, %div3A_18 : vector<1000x16xf32>
    %slice3A_20 = vector.extract_strided_slice %add3A {offsets = [0, 32], sizes = [1000, 16], strides = [1, 1]} : vector<1000x128xf32> to vector<1000x16xf32>
    %slice3A_21 = vector.extract_strided_slice %select_n3A {offsets = [0, 2], sizes = [1000, 1], strides = [1, 1]} : vector<1000x8xf32> to vector<1000x1xf32>
    %div3A_22 = vector.broadcast %slice3A_21 : vector<1000x1xf32> to vector<1000x16xf32>
    %div3A_23 = arith.divf %slice3A_20, %div3A_22 : vector<1000x16xf32>
    %slice3A_24 = vector.extract_strided_slice %add3A {offsets = [0, 48], sizes = [1000, 16], strides = [1, 1]} : vector<1000x128xf32> to vector<1000x16xf32>
    %slice3A_25 = vector.extract_strided_slice %select_n3A {offsets = [0, 3], sizes = [1000, 1], strides = [1, 1]} : vector<1000x8xf32> to vector<1000x1xf32>
    %div3A_26 = vector.broadcast %slice3A_25 : vector<1000x1xf32> to vector<1000x16xf32>
    %div3A_27 = arith.divf %slice3A_24, %div3A_26 : vector<1000x16xf32>
    %slice3A_28 = vector.extract_strided_slice %add3A {offsets = [0, 64], sizes = [1000, 16], strides = [1, 1]} : vector<1000x128xf32> to vector<1000x16xf32>
    %slice3A_29 = vector.extract_strided_slice %select_n3A {offsets = [0, 4], sizes = [1000, 1], strides = [1, 1]} : vector<1000x8xf32> to vector<1000x1xf32>
    %div3A_30 = vector.broadcast %slice3A_29 : vector<1000x1xf32> to vector<1000x16xf32>
    %div3A_31 = arith.divf %slice3A_28, %div3A_30 : vector<1000x16xf32>
    %slice3A_32 = vector.extract_strided_slice %add3A {offsets = [0, 80], sizes = [1000, 16], strides = [1, 1]} : vector<1000x128xf32> to vector<1000x16xf32>
    %slice3A_33 = vector.extract_strided_slice %select_n3A {offsets = [0, 5], sizes = [1000, 1], strides = [1, 1]} : vector<1000x8xf32> to vector<1000x1xf32>
    %div3A_34 = vector.broadcast %slice3A_33 : vector<1000x1xf32> to vector<1000x16xf32>
    %div3A_35 = arith.divf %slice3A_32, %div3A_34 : vector<1000x16xf32>
    %slice3A_36 = vector.extract_strided_slice %add3A {offsets = [0, 96], sizes = [1000, 16], strides = [1, 1]} : vector<1000x128xf32> to vector<1000x16xf32>
    %slice3A_37 = vector.extract_strided_slice %select_n3A {offsets = [0, 6], sizes = [1000, 1], strides = [1, 1]} : vector<1000x8xf32> to vector<1000x1xf32>
    %div3A_38 = vector.broadcast %slice3A_37 : vector<1000x1xf32> to vector<1000x16xf32>
    %div3A_39 = arith.divf %slice3A_36, %div3A_38 : vector<1000x16xf32>
    %slice3A_40 = vector.extract_strided_slice %add3A {offsets = [0, 112], sizes = [1000, 16], strides = [1, 1]} : vector<1000x128xf32> to vector<1000x16xf32>
    %slice3A_41 = vector.extract_strided_slice %select_n3A {offsets = [0, 7], sizes = [1000, 1], strides = [1, 1]} : vector<1000x8xf32> to vector<1000x1xf32>
    %div3A_42 = vector.broadcast %slice3A_41 : vector<1000x1xf32> to vector<1000x16xf32>
    %div3A_43 = arith.divf %slice3A_40, %div3A_42 : vector<1000x16xf32>
    %concatenate3A = tpu.concatenate %div3A_15, %div3A_19, %div3A_23, %div3A_27, %div3A_31, %div3A_35, %div3A_39, %div3A_43 in 1 : vector<1000x16xf32>, vector<1000x16xf32>, vector<1000x16xf32>, vector<1000x16xf32>, vector<1000x16xf32>, vector<1000x16xf32>, vector<1000x16xf32>, vector<1000x16xf32> -> vector<1000x128xf32>
    %get3A_44 = arith.constant 0 : index
    %get3A_45 = arith.constant 0 : index
    %get3A_46 = vector.load %arg4[%get3A_44, %get3A_45] : memref<128x128xf32, #tpu.memory_space<vmem>>, vector<128x128xf32>
    %dot_general3A = arith.constant dense<0.000000e+00> : vector<1000x128xf32>
    %dot_general3A_47 = tpu.matmul %concatenate3A, %get3A_46, %dot_general3A {dimension_numbers = #tpu.dot_dimension_numbers<[1], [0], [0], [1], [0, 0, 1, 1], [], []>, transpose_lhs_hint = false} : vector<1000x128xf32>, vector<128x128xf32>, vector<1000x128xf32> -> vector<1000x128xf32>
    %get3A_48 = arith.constant 0 : index
    %get3A_49 = arith.constant 0 : index
    %get3A_50 = vector.load %arg5[%get3A_48, %get3A_49] : memref<1x128xf32, #tpu.memory_space<vmem>>, vector<1x128xf32>
    %add3A_51 = vector.broadcast %get3A_50 : vector<1x128xf32> to vector<1000x128xf32>
    %add3A_52 = arith.addf %dot_general3A_47, %add3A_51 : vector<1000x128xf32>
    %get3A_53 = arith.constant 0 : index
    %get3A_54 = arith.constant 0 : index
    %get3A_55 = vector.load %arg3[%get3A_53, %get3A_54] : memref<1000x128xf32, #tpu.memory_space<vmem>>, vector<1000x128xf32>
    %add3A_56 = arith.addf %get3A_55, %add3A_52 : vector<1000x128xf32>
    %get3A_57 = arith.constant 0 : index
    %get3A_58 = arith.constant 0 : index
    %get3A_59 = vector.load %arg6[%get3A_57, %get3A_58] : memref<128x256xf32, #tpu.memory_space<vmem>>, vector<128x256xf32>
    %dot_general3A_60 = arith.constant dense<0.000000e+00> : vector<1000x256xf32>
    %dot_general3A_61 = tpu.matmul %add3A_56, %get3A_59, %dot_general3A_60 {dimension_numbers = #tpu.dot_dimension_numbers<[1], [0], [0], [1], [0, 0, 1, 1], [], []>, transpose_lhs_hint = false} : vector<1000x128xf32>, vector<128x256xf32>, vector<1000x256xf32> -> vector<1000x256xf32>
    %get3A_62 = arith.constant 0 : index
    %get3A_63 = arith.constant 0 : index
    %get3A_64 = vector.load %arg7[%get3A_62, %get3A_63] : memref<1x256xf32, #tpu.memory_space<vmem>>, vector<1x256xf32>
    %add3A_65 = vector.broadcast %get3A_64 : vector<1x256xf32> to vector<1000x256xf32>
    %add3A_66 = arith.addf %dot_general3A_61, %add3A_65 : vector<1000x256xf32>
    %max3A = arith.constant 0.000000e+00 : f32
    %max3A_67 = vector.broadcast %max3A : f32 to vector<1000x256xf32>
    %max3A_68 = arith.maximumf %add3A_66, %max3A_67 : vector<1000x256xf32>
    %get3A_69 = arith.constant 0 : index
    %get3A_70 = arith.constant 0 : index
    %get3A_71 = vector.load %arg8[%get3A_69, %get3A_70] : memref<256x128xf32, #tpu.memory_space<vmem>>, vector<256x128xf32>
    %dot_general3A_72 = arith.constant dense<0.000000e+00> : vector<1000x128xf32>
    %dot_general3A_73 = tpu.matmul %max3A_68, %get3A_71, %dot_general3A_72 {dimension_numbers = #tpu.dot_dimension_numbers<[1], [0], [0], [1], [0, 0, 1, 1], [], []>, transpose_lhs_hint = false} : vector<1000x256xf32>, vector<256x128xf32>, vector<1000x128xf32> -> vector<1000x128xf32>
    %get3A_74 = arith.constant 0 : index
    %get3A_75 = arith.constant 0 : index
    %get3A_76 = vector.load %arg9[%get3A_74, %get3A_75] : memref<1x128xf32, #tpu.memory_space<vmem>>, vector<1x128xf32>
    %add3A_77 = vector.broadcast %get3A_76 : vector<1x128xf32> to vector<1000x128xf32>
    %add3A_78 = arith.addf %dot_general3A_73, %add3A_77 : vector<1000x128xf32>
    %swap3A = arith.constant 0 : index
    %swap3A_79 = arith.constant 0 : index
    %swap3A_80 = vector.load %arg10[%swap3A, %swap3A_79] : memref<1000x128xf32, #tpu.memory_space<vmem>>, vector<1000x128xf32>
    tpu.vector_store %arg10[%swap3A, %swap3A_79], %add3A_78 {strides = array<i32>} : memref<1000x128xf32, #tpu.memory_space<vmem>>, vector<1000x128xf32>,
    return
  }
  func.func @transform_0(%arg0: i32) -> (i32, i32) {
    %c0_i32 = arith.constant 0 : i32
    %c0_i32_0 = arith.constant 0 : i32
    return %arg0, %c0_i32 : i32, i32
  }
  func.func @transform_1(%arg0: i32) -> (i32, i32) {
    %c0_i32 = arith.constant 0 : i32
    %c0_i32_0 = arith.constant 0 : i32
    return %arg0, %c0_i32 : i32, i32
  }
  func.func @transform_2(%arg0: i32) -> (i32, i32) {
    %c0_i32 = arith.constant 0 : i32
    %c0_i32_0 = arith.constant 0 : i32
    return %arg0, %c0_i32 : i32, i32
  }
  func.func @transform_3(%arg0: i32) -> (i32, i32) {
    %c0_i32 = arith.constant 0 : i32
    %c0_i32_0 = arith.constant 0 : i32
    %c0_i32_1 = arith.constant 0 : i32
    return %c0_i32, %c0_i32_0 : i32, i32
  }
  func.func @transform_4(%arg0: i32) -> (i32, i32) {
    %c0_i32 = arith.constant 0 : i32
    %c0_i32_0 = arith.constant 0 : i32
    %c0_i32_1 = arith.constant 0 : i32
    return %c0_i32, %c0_i32_0 : i32, i32
  }
  func.func @transform_5(%arg0: i32) -> (i32, i32) {
    %c0_i32 = arith.constant 0 : i32
    %c0_i32_0 = arith.constant 0 : i32
    %c0_i32_1 = arith.constant 0 : i32
    return %c0_i32, %c0_i32_0 : i32, i32
  }
  func.func @transform_6(%arg0: i32) -> (i32, i32) {
    %c0_i32 = arith.constant 0 : i32
    %c0_i32_0 = arith.constant 0 : i32
    %c0_i32_1 = arith.constant 0 : i32
    return %c0_i32, %c0_i32_0 : i32, i32
  }
  func.func @transform_7(%arg0: i32) -> (i32, i32) {
    %c0_i32 = arith.constant 0 : i32
    %c0_i32_0 = arith.constant 0 : i32
    %c0_i32_1 = arith.constant 0 : i32
    return %c0_i32, %c0_i32_0 : i32, i32
  }
  func.func @transform_8(%arg0: i32) -> (i32, i32) {
    %c0_i32 = arith.constant 0 : i32
    %c0_i32_0 = arith.constant 0 : i32
    %c0_i32_1 = arith.constant 0 : i32
    return %c0_i32, %c0_i32_0 : i32, i32
  }
  func.func @transform_9(%arg0: i32) -> (i32, i32) {
    %c0_i32 = arith.constant 0 : i32
    %c0_i32_0 = arith.constant 0 : i32
    return %arg0, %c0_i32 : i32, i32
  }
}

</mosaic_0001>

<sc_bundles>
// kernel: kernel.5.cloned.1.call-start
scs
__scs_entry_jumppad:
0x0: {  	(pc) =	sbr.rel $0x88, $3  }
0x1: {  	(tag) =	ssettag $0x0;
	lr =	simm.s32 $0x1  }
0x2: {  	[smem:$0x3F92] =	sst lr;
	_ =	strace $0xD0000000  }
0x3: {  	_ = 	snop  }
0x4: {  	_ = 	snop  }
0x5: {  	_ = 	snop  }
0x6: {  	_ = 	snop  }
0x7: {  	_ = 	snop  }
__scs_overlays_trampoline_lowered:
0x8: {  	[smem:$0x3FA1] =	sst s0  }
0x9: {  	[smem:$0x3FA2] =	sst s1  }
0xa: {  	[smem:$0x3FA3] =	sst s2  }
0xb: {  	[smem:$0x3FA4] =	sst s3  }
0xc: {  	[smem:$0x3FA5] =	sst s4  }
0xd: {  	[smem:$0x3FA6] =	sst s5  }
0xe: {  	[smem:$0x3FA7] =	sst s6  }
0xf: {  	[smem:$0x3FA8] =	sst s7  }
0x10: {  	[smem:$0x3FA9] =	sst s8  }
0x11: {  	[smem:$0x3FAA] =	sst s9;
	s0 =	simm.s32 @!p0 $0x0  }
0x12: {  	s1 =	sld [smem:$0x3F90];
	s0 =	simm.s32 @p0 $0x1  }
0x13: {  	[smem:$0x3FAB] =	sst s0;
	s0 =	simm.s32 @!p1 $0x0  }
0x14: {  	s2 =	sld [smem:$0x3F8F];
	s0 =	simm.s32 @p1 $0x1  }
0x15: {  	[smem:$0x3FAC] =	sst s0;
	s0 =	simm.s32 @!p2 $0x0  }
0x16: {  	s3 =	sld [smem:$0x3FDB];
	s0 =	simm.s32 @p2 $0x1  }
0x17: {  	s4 =	simm.s32 $0x1BF5;
	[smem:$0x3FAE] =	sst s0  }
0x18: {  	s0 =	sld [smem:$0x3F91];
	_ =	swait.ge [sflag:s4], $0x0  }
0x19: {  	s7 =	sld [smem:$0x3F92]  }
0x1a: {  	s8 =	sadd.s32 $0xFFFFE003, lr  }
0x1b: {  	s9 =	sadd.s32 $0xFFFFFEF7, lr;
	s5 =	simm.s32 $0xFFFFFFFF;
	p2 =	slt.u32 s8, $0xFFFFF086  }
0x1c: {  	p1 =	slt.u32 s9, $0xF7A;
	s5 =	simm.s32 @!p2 $0x0  }
0x1d: {  	s5 =	simm.s32 @p1 $0x1;
	p0 =	seq.s32 s7, s2  }
0x1e: {  	s7 =	smul.u32 @!p0 $0xF7A, s2;
	p2 =	seq.s32 @!p0 s5, $0x0  }
0x1f: {  	s9 =	smul.u32 $0xF7A, s1;
	s8 =	simm.s32 @!p0 $0x1BF5;
	p2 =	por !p2, p0  }
0x20: {  	[sflag:s8] =	ssyncset.s32 @!p0 $0xFFFFF086;
	s6 =	sadd.s32 @!p0 s3, s7;
	s7 =	simm.s32 @!p0 $0x108  }
0x21: {  	s3 =	sadd.s32 s3, s9;
	s6 =	sadd.s32 @!p0 $0x88, s6;
	s7 =	simm.s32 @p2 $0x1082  }
0x22: {  	[simem:s7], [sflag:s8] =	dma.local @!p0 [hbm:s6], $0xF7A  }
0x23: {  	s9 =	sor.u32 $0xD0000000, s2;
	s6 =	simm.s32 $0x108;
	_ =	swait.ge @!p0 [sflag:s8], $0x0  }
0x24: {  	s3 =	sadd.s32 $0x88, s3;
	s6 =	simm.s32 @!p1 $0x1082;
	[sflag:s4] =	ssyncset.s32 $0xFFFFF086  }
0x25: {  	[simem:s6], [sflag:s4] =	dma.local [hbm:s3], $0xF7A  }
0x26: {  	[smem:$0x3F92] =	sst s1;
	(tag) =	ssettag s2;
	_ =	strace s9  }
0x27: {  	s1 =	sld [smem:$0x3FA2]  }
0x28: {  	s2 =	sld [smem:$0x3FA3]  }
0x29: {  	s4 =	sld [smem:$0x3FA5]  }
0x2a: {  	p0 =	seq.s32 s5, $0x0;
	s5 =	sld [smem:$0x3FA6]  }
0x2b: {  	s6 =	sld [smem:$0x3FA7]  }
0x2c: {  	s7 =	sld [smem:$0x3FA8]  }
0x2d: {  	s3 =	simm.s32 $0x108;
	s8 =	sld [smem:$0x3FA9]  }
0x2e: {  	s3 =	simm.s32 @!p0 $0x1082;
	s9 =	sld [smem:$0x3FAA]  }
0x2f: {  	lr =	sadd.s32 s0, s3;
	s0 =	sld [smem:$0x3FA1]  }
0x30: {  	s3 =	sld [smem:$0x3FA4]  }
0x31: {  	[smem:$0x3FAD] =	sst s10  }
0x32: {  	s10 =	sld [smem:$0x3FAB];
	_ =	sdelay $0x3  }
0x33: {  	p0 =	seq.s32 s10, $0x1;
	s10 =	sld [smem:$0x3FAD];
	_ =	sdelay $0x3  }
0x34: {  	[smem:$0x3FAD] =	sst s10  }
0x35: {  	s10 =	sld [smem:$0x3FAC];
	_ =	sdelay $0x3  }
0x36: {  	p1 =	seq.s32 s10, $0x1;
	s10 =	sld [smem:$0x3FAD];
	_ =	sdelay $0x3  }
0x37: {  	[smem:$0x3FAD] =	sst s10  }
0x38: {  	s10 =	sld [smem:$0x3FAE]  }
0x39: {  	_ = 	snop;
	(pc) =	sbr.ind lr, $3  }
0x3a: {  	_ = 	snop  }
0x3b: {  	_ = 	snop  }
0x3c: {  	p2 =	seq.s32 s10, $0x1;
	s10 =	sld [smem:$0x3FAD]  }
0x3d: {  	_ =	shalt  }
0x3e: {  	_ =	shalt  }
0x3f: {  	_ =	shalt  }
0x40: {  	_ =	shalt  }
0x41: {  	_ =	shalt  }
0x42: {  	_ =	shalt  }
0x43: {  	_ =	shalt  }
0x44: {  	_ =	shalt  }
0x45: {  	_ =	shalt  }
0x46: {  	_ =	shalt  }
0x47: {  	_ =	shalt  }
0x48: {  	_ =	shalt  }
0x49: {  	_ =	shalt  }
0x4a: {  	_ =	shalt  }
0x4b: {  	_ =	shalt  }
0x4c: {  	_ =	shalt  }
0x4d: {  	_ =	shalt  }
0x4e: {  	_ =	shalt  }
0x4f: {  	_ =	shalt  }
0x50: {  	_ =	shalt  }
0x51: {  	_ =	shalt  }
0x52: {  	_ =	shalt  }
0x53: {  	_ =	shalt  }
0x54: {  	_ =	shalt  }
0x55: {  	_ =	shalt  }
0x56: {  	_ =	shalt  }
0x57: {  	_ =	shalt  }
0x58: {  	_ =	shalt  }
0x59: {  	_ =	shalt  }
0x5a: {  	_ =	shalt  }
0x5b: {  	_ =	shalt  }
0x5c: {  	_ =	shalt  }
0x5d: {  	_ =	shalt  }
0x5e: {  	_ =	shalt  }
0x5f: {  	_ =	shalt  }
0x60: {  	_ =	shalt  }
0x61: {  	_ =	shalt  }
0x62: {  	_ =	shalt  }
0x63: {  	_ =	shalt  }
0x64: {  	_ =	shalt  }
0x65: {  	_ =	shalt  }
0x66: {  	_ =	shalt  }
0x67: {  	_ =	shalt  }
0x68: {  	_ =	shalt  }
0x69: {  	_ =	shalt  }
0x6a: {  	_ =	shalt  }
0x6b: {  	_ =	shalt  }
0x6c: {  	_ =	shalt  }
0x6d: {  	_ =	shalt  }
0x6e: {  	_ =	shalt  }
0x6f: {  	_ =	shalt  }
0x70: {  	_ =	shalt  }
0x71: {  	_ =	shalt  }
0x72: {  	_ =	shalt  }
0x73: {  	_ =	shalt  }
0x74: {  	_ =	shalt  }
0x75: {  	_ =	shalt  }
0x76: {  	_ =	shalt  }
0x77: {  	_ =	shalt  }
0x78: {  	_ =	shalt  }
0x79: {  	_ =	shalt  }
0x7a: {  	_ =	shalt  }
0x7b: {  	_ =	shalt  }
0x7c: {  	_ =	shalt  }
0x7d: {  	_ =	shalt  }
0x7e: {  	_ =	shalt  }
0x7f: {  	_ =	shalt  }
0x80: {  	_ =	shalt  }
0x81: {  	_ =	shalt  }
0x82: {  	_ =	shalt  }
0x83: {  	_ =	shalt  }
0x84: {  	_ =	shalt  }
0x85: {  	_ =	shalt  }
0x86: {  	_ =	shalt  }
0x87: {  	_ =	shalt  }
.Lfunc_end0:
.L_simem_size_0:
called_computation_lowered:
.L_overlay_start_0:
0x88: {  	s2 =	sld [smem:$0x3FD9]  }
0x89: {  	s3 =	sld [smem:$0x3FFE];
	_ =	sdelay $0x1  }
0x8a: {  	s1 =	srdreg.scid  }
0x8b: {  	s0 =	sand.u32 $0x1, s1  }
0x8c: {  	s17 =	sshll.u32 s0, $0xA;
	s2 =	sadd.s32 s3, s2  }
0x8d: {  	s2 =	sadd.s32 s2, s17  }
0x8e: {  	[smem:$0x3FB9] =	sst s2  }
0x8f: {  	_ = 	snop  }
0x90: {  	s2 =	sld [smem:$0x3FD0];
	(tm) =	ssettm $0x1  }
0x91: {  	s18 =	sld [smem:$0x3FFB];
	_ =	sdelay $0x3  }
0x92: {  	_ =	strace s18  }
0x93: {  	s3 =	sld [smem:$0x3FFC];
	_ =	sdelay $0x3  }
0x94: {  	_ =	strace s3  }
0x95: {  	s3 =	sld [smem:$0x3FFD];
	_ =	sdelay $0x3  }
0x96: {  	_ =	strace s3  }
0x97: {  	_ =	strace $0x8FFFFFFF  }
0x98: {  	s19 =	sld [smem:$0x3FDB];
	_ =	sdelay $0x1  }
0x99: {  	s4 =	simm.s32 $_scs_section_size  }
0x9a: {  	s5 =	simm.s32 $_size__tile_overlayer_lowered;
	s6 =	simm.s32 $_tile_overlayer_lowered  }
0x9b: {  	s22 =	simm.s32 $0x1BFF;
	s21 =	sshll.u32 s6, $0x1;
	s3 =	sadd.s32 s4, s19  }
0x9c: {  	s7 =	simm.s32 $0x0;
	s20 =	sshll.u32 s5, $0x1;
	s5 =	sadd.s32 s21, s3  }
0x9d: {  	[timem:s7], [sflag:s22] =	dma.local [hbm:s5], s20  }
0x9e: {  	_ =	swait.ge [sflag:s22], s20  }
0x9f: {  	s4 =	ssub.s32 $0x0, s20;
	[sflag:s22] =	ssyncset.done $0x0  }
0xa0: {  	[sflag:s22] =	ssyncadd.s32 s4;
	_ =	sdelay $0x1  }
0xa1: {  	s23 =	simm.s32 $0x1B8B  }
0xa2: {  	_ =	swait.ge [sflag:s23], $0x1  }
0xa3: {  	[sflag:s23] =	ssyncset.done $0x0  }
0xa4: {  	s25 =	simm.s32 $0x1B8E;
	s24 =	sld [smem:$0x3FFE];
	[sflag:s23] =	ssyncadd.s32 $0xFFFFFFFF  }
0xa5: {  	s26 =	simm.s32 $execute0_lowered;
	[smem:$0x3FD2] =	sst s25  }
0xa6: {  	s5 =	sshll.u32 s26, $0x1;
	_ =	strace $0x80000046;
	[dreg:$0x1] =	wrdreg $0xFFFFFFFF  }
0xa7: {  	s28 =	simm.s32 $_size_execute0_lowered;
	s3 =	sadd.s32 s3, s5;
	[dreg:$0x0] =	wrdreg $0x0  }
0xa8: {  	s5 =	sshll.u32 s28, $0x1;
	[dreg:$0x2] =	wrdreg s3  }
0xa9: {  	[dreg:$0x3] =	wrdreg s5  }
0xaa: {  	[dreg:$0x4] =	wrdreg $0xC0  }
0xab: {  	_ =	task [dreg:s7], $0x5FFFF  }
0xac: {  	[dreg:$0x1] =	wrdreg $0xFFFFFFFF  }
0xad: {  	[dreg:$0x0] =	wrdreg $0x60  }
0xae: {  	[dreg:$0x2] =	wrdreg s2  }
0xaf: {  	[dreg:$0x3] =	wrdreg s24  }
0xb0: {  	[dreg:$0x4] =	wrdreg $0x7DA00  }
0xb1: {  	[dreg:$0x5] =	wrdreg $0x9  }
0xb2: {  	_ =	task.clear_ibuf [dreg:s7], $0x6FFFF;
	_ =	strace $0x90000046  }
0xb3: {  	s29 =	simm.s32 $0x9;
	_ =	strace $0x80000048  }
0xb4: {  	_ =	swait.ge [sflag:s29], $0x1  }
0xb5: {  	[sflag:s29] =	ssyncadd.s32 $0xFFFFFFFF  }
0xb6: {  	_ =	strace $0x90000048  }
0xb7: {  	_ =	sfence  }
0xb8: {  	s30 =	sld [smem:$0x0];
	_ =	sdelay $0x2  }
0xb9: {  	s31 =	sshll.u32 s1, $0xD;
	s1 =	sshrl.u32 s1, $0x2  }
0xba: {  	s3 =	sand.u32 $0x4000, s31;
	s1 =	sadd.s32 s1, s30  }
0xbb: {  	s0 =	sor.u32 s3, s0;
	s1 =	sshll.u32 s1, $0x11  }
0xbc: {  	s0 =	sor.u32 s1, s0  }
0xbd: {  	s0 =	sadd.s32 $0x8F2B, s0  }
0xbe: {  	[sflag:s0] =	ssyncadd.remote.s32 $0x1  }
0xbf: {  	_ =	sfence.sel $0xFFFF  }
0xc0: {  	[dreg:$0x0] =	wrdreg $0xFFFFFFFF;
	(pc) =	sbr.abs _section_cstart, $3  }
0xc1: {  	[dreg:$0x1] =	wrdreg $0xFFFFFFFF  }
0xc2: {  	_ =	task.clear_ibuf [dreg:s7], $0x2FFFF;
	_ =	strace $0x9FFFFFFF  }
0xc3: {  	(tm) =	ssettm $0x7FFFFFFF  }
tec
execute0_lowered:
.L_overlay_start_1:
0x0: {  	(tag) =	ssettag $0x1  }
0x1: {  	s1 =	rddreg [dreg:$0x0]  }
0x2: {  	s10 =	rddreg [dreg:$0x1]  }
0x3: {  	s2 =	rddreg [dreg:$0x2];
	v0 =	vimm.s32 $0x76543210;
	v1 =	vimm.s32 $0xFEDCBA98  }
0x4: {  	s0 =	rddreg [dreg:$0x3];
	s3 =	simm.s32 $0x0;
	v2 =	vimm.s32 $0xBA98FEDC;
	v3 =	vimm.s32 $0x32107654;
	v4 =	vimm.s32 $0xDCFE98BA  }
0x5: {  	s6 =	srdreg.scid;
	s4 =	stileid.u32;
	v5 =	vimm.s32 $0x54761032;
	v6 =	vimm.s32 $0xEFCDAB89;
	s17 =	simm.s32 $0xA0  }
0x6: {  	v7 =	vimm.s32 $0x67452301;
	vm0 =	vmmov $0x1;
	vm1 =	vcmask $0x320;
	s18 =	simm.s32 $0x28A0;
	s19 =	simm.s32 $0x50A0;
	s20 =	simm.s32 $0x1  }
0x7: {  	vm2 =	vcmask $0x720;
	vm3 =	vcmask $0xB20;
	vm4 =	vcmask $0xF20;
	s21 =	simm.s32 $0x2;
	s22 =	simm.s32 $0x3;
	[smem:$0x7FF] =	sst s3  }
0x8: {  	v0 =	vunpack.c.l.s4.s8 v0;
	v1 =	vunpack.c.l.s4.s8 v1;
	v2 =	vunpack.c.l.s4.s8 v2;
	s5 =	sadd.s32 $0x50200, s10;
	s11 =	sand.u32 $0x1, s6;
	s9 =	smul.u32 $0x2D00, s4  }
0x9: {  	v3 =	vunpack.c.l.s4.s8 v3;
	v4 =	vunpack.c.l.s4.s8 v4;
	s6 =	sadd.s32 $0x77400, s10;
	v5 =	vunpack.c.l.s4.s8 v5;
	s7 =	sadd.s32 $0xBE00, s10;
	s8 =	sadd.s32 $0x2000, s10  }
0xa: {  	v6 =	vunpack.c.l.s4.s8 v6;
	v7 =	vunpack.c.l.s4.s8 v7;
	s15 =	smul.u32 $0x5A000, s4;
	s30 =	sshll.u32 s4, $0x6;
	_ =	strace $0x80000047;
	v2 =	vunpack.c.0.s8.s32 v2  }
0xb: {  	s12 =	smul.u32 $0x2D000, s11;
	s13 =	ssub.s32 $0x2, s11;
	s28 =	sshll.u32 s11, $0x4;
	v3 =	vunpack.c.0.s8.s32 v3;
	v4 =	vunpack.c.0.s8.s32 v4;
	v5 =	vunpack.c.0.s8.s32 v5  }
0xc: {  	s14 =	sshrl.u32 s13, $0x1;
	v1 =	vunpack.c.0.s8.s32 v1;
	v6 =	vunpack.c.0.s8.s32 v6;
	v7 =	vunpack.c.0.s8.s32 v7;
	s29 =	sshrl.u32 s15, $0x2;
	s31 =	sor.u32 s4, s28  }
0xd: {  	vm5 =	vcmask $0x1320;
	v0 =	vunpack.c.0.s8.s32 v0;
	s15 =	simm.s32 $0x4;
	s12 =	sadd.s32 s9, s12;
	s9 =	sadd.s32 $0x15C00, s10;
	v2 =	vcombine.low v3, v2  }
0xe: {  	s13 =	ssub.s32 s13, s14;
	s16 =	sadd.s32 s29, s2;
	s11 =	smul.u32 $0x2710, s31;
	v3 =	vcombine.low v5, v4;
	v4 =	vcombine.low v7, v6;
	v1 =	vand.u32 $0xF, v1  }
0xf: {  	vm6 =	vcmask $0x1720;
	vm7 =	vcmask $0x1B20;
	s12 =	sadd.s32 s12, s10;
	s10 =	sor.u32 $0x1C04, s30;
	s13 =	smax.u32 s13, $0x1;
	v0 =	vcombine.low v1, v0  }
0x10: {  	s14 =	sshrl.u32 s16, $0x3;
	s16 =	simm.s32 $0x50;
	s12 =	sadd.s32 $0xA3400, s12;
	v1 =	vand.u32 $0xF, v2;
	v2 =	vand.u32 $0xF, v3;
	v3 =	vand.u32 $0xF, v4  }
.LBB2_1:
0x11: {  	[spmem:s14], [sflag:s10] =	dma.local [hbm:s9], $0x2D00  }
0x12: {  	_ =	swait.ge [sflag:s15], $0x2D00  }
0x13: {  	[sflag:s15] =	ssyncset.done $0x0  }
0x14: {  	[sflag:s15] =	ssyncadd.s32 $0xFFFFD300  }
0x15: {  	s23 =	simm.s32 $0x0;
	[bflag:$0x0] =	sbarrier.arrive $0xFFFF  }
.LBB2_2:
0x16: {  	s24 =	smul.u32 $0x50, s23;
	_ =	sdelay $0x1  }
0x17: {  	s24 =	sadd.s32 s11, s24  }
0x18: {  	s25 =	sshrl.u32 s24, $0x3  }
0x19: {  	s24 =	simm.s32 $0x0;
	s26 =	sadd.s32 s7, s25  }
0x1a: {  	[tilespmem:s24], [sflag:$0x4] =	stream.linear.gather [hbm4b:s26+s24], $0x50, $0x38;
	[tilespmem:$0x1E5A0] =	vst v63  }
0x1b: {  	_ =	swait.ge [sflag:s15], $0x50  }
0x1c: {  	[sflag:s15] =	ssyncset.done $0x0  }
0x1d: {  	s25 =	sadd.s32 s8, s25;
	[sflag:s15] =	ssyncadd.s32 $0xFFFFFFB0  }
0x1e: {  	[tilespmem:s16], [sflag:$0x4] =	stream.linear.gather [hbm4b:s25+s24], $0x50, $0x38;
	[tilespmem:$0x1E5A0] =	vst v63  }
0x1f: {  	_ =	swait.ge [sflag:s15], $0x50  }
0x20: {  	[sflag:s15] =	ssyncset.done $0x0  }
0x21: {  	[sflag:s15] =	ssyncadd.s32 $0xFFFFFFB0  }
0x22: {  	[tilespmem:s17], [sflag:$0x1] =	stream.indirect.gather [hbm4b:s1+s16], $0x80, s16, s16, $0xb8;
	[tilespmem:$0x1E5A0] =	vst v63  }
0x23: {  	_ = 	snop  }
0x24: {  	[tilespmem:s18], [sflag:$0x2] =	stream.indirect.gather [hbm4b:s5+s16], $0x80, s24, s16, $0xb8;
	[tilespmem:$0x1E5A0] =	vst v63  }
0x25: {  	_ = 	snop  }
0x26: {  	[tilespmem:s19], [sflag:$0x3] =	stream.indirect.gather [hbm4b:s6+s16], $0x90, s24, s16, $0xb8;
	[tilespmem:$0x1E5A0] =	vst v63  }
0x27: {  	_ =	swait.ge [sflag:s20], $0x2800  }
0x28: {  	[sflag:s20] =	ssyncset.done $0x0  }
0x29: {  	[sflag:s20] =	ssyncadd.s32 $0xFFFFD800  }
0x2a: {  	_ =	swait.ge [sflag:s21], $0x2800  }
0x2b: {  	[sflag:s21] =	ssyncset.done $0x0  }
0x2c: {  	[sflag:s21] =	ssyncadd.s32 $0xFFFFD800  }
0x2d: {  	_ =	swait.ge [sflag:s22], $0x2D00  }
0x2e: {  	[sflag:s22] =	ssyncset.done $0x0  }
0x2f: {  	s25 =	simm.s32 $0x50E0;
	[sflag:s22] =	ssyncadd.s32 $0xFFFFD300  }
.LBB2_3:
0x30: {  	s26 =	sshra.s32 s24, $0x2  }
0x31: {  	v4 =	vld [tilespmem:s26+$0xA0]  }
0x32: {  	v5 =	vld [tilespmem:s26+$0x28A0];
	_ =	sdelay $0x4  }
0x33: {  	v4 =	vmul.f32 v5, v4;
	_ =	sdelay $0x1  }
0x34: {  	v5 =	vperm.xlane v4, v0;
	_ =	sdelay $0x1  }
0x35: {  	v4 =	vadd.f32 v5, v4;
	_ =	sdelay $0x1  }
0x36: {  	v5 =	vperm.xlane v4, v1;
	_ =	sdelay $0x1  }
0x37: {  	v4 =	vadd.f32 v5, v4;
	_ =	sdelay $0x1  }
0x38: {  	v5 =	vperm.xlane v4, v2;
	_ =	sdelay $0x1  }
0x39: {  	v4 =	vadd.f32 v5, v4;
	_ =	sdelay $0x1  }
0x3a: {  	v5 =	vperm.xlane v4, v3;
	_ =	sdelay $0x1  }
0x3b: {  	v4 =	vadd.f32 v5, v4;
	_ =	sdelay $0x1  }
0x3c: {  	v4 =	vmul.f32 $1.442695020e+00, v4;
	_ =	sdelay $0x1  }
0x3d: {  	(erf) = vpow2.f32 v4;
	_ =	sdelay $0x4  }
0x3e: {  	v4 =	vld [tilespmem:s25+$0xFFFFFFC0];
	_ =	sdelay $0x3  }
0x3f: {  	v5 =	vpop (erf)  }
0x40: {  	v4 =	vmul.f32 v5, v4;
	_ =	sdelay $0x1  }
0x41: {  	[tilespmem:s25+$0xFFFFFFC0] =	vst v4  }
0x42: {  	v4 =	vld [tilespmem:s26+$0xB0]  }
0x43: {  	v6 =	vld [tilespmem:s26+$0x28B0];
	_ =	sdelay $0x4  }
0x44: {  	v4 =	vmul.f32 v6, v4;
	_ =	sdelay $0x1  }
0x45: {  	v6 =	vperm.xlane v4, v0;
	_ =	sdelay $0x1  }
0x46: {  	v4 =	vadd.f32 v6, v4;
	_ =	sdelay $0x1  }
0x47: {  	v6 =	vperm.xlane v4, v1;
	_ =	sdelay $0x1  }
0x48: {  	v4 =	vadd.f32 v6, v4;
	_ =	sdelay $0x1  }
0x49: {  	v6 =	vperm.xlane v4, v2;
	_ =	sdelay $0x1  }
0x4a: {  	v4 =	vadd.f32 v6, v4;
	_ =	sdelay $0x1  }
0x4b: {  	v6 =	vperm.xlane v4, v3;
	_ =	sdelay $0x1  }
0x4c: {  	v4 =	vadd.f32 v6, v4;
	_ =	sdelay $0x1  }
0x4d: {  	v4 =	vmul.f32 $1.442695020e+00, v4;
	_ =	sdelay $0x1  }
0x4e: {  	(erf) = vpow2.f32 v4;
	_ =	sdelay $0x4  }
0x4f: {  	v4 =	vld [tilespmem:s25+$0xFFFFFFD0];
	_ =	sdelay $0x3  }
0x50: {  	v57 =	vpop (erf)  }
0x51: {  	v4 =	vmul.f32 v57, v4;
	_ =	sdelay $0x1  }
0x52: {  	[tilespmem:s25+$0xFFFFFFD0] =	vst v4  }
0x53: {  	v4 =	vld [tilespmem:s26+$0xC0]  }
0x54: {  	v7 =	vld [tilespmem:s26+$0x28C0];
	_ =	sdelay $0x4  }
0x55: {  	v4 =	vmul.f32 v7, v4;
	_ =	sdelay $0x1  }
0x56: {  	v7 =	vperm.xlane v4, v0;
	_ =	sdelay $0x1  }
0x57: {  	v4 =	vadd.f32 v7, v4;
	_ =	sdelay $0x1  }
0x58: {  	v7 =	vperm.xlane v4, v1;
	_ =	sdelay $0x1  }
0x59: {  	v4 =	vadd.f32 v7, v4;
	_ =	sdelay $0x1  }
0x5a: {  	v7 =	vperm.xlane v4, v2;
	_ =	sdelay $0x1  }
0x5b: {  	v4 =	vadd.f32 v7, v4;
	_ =	sdelay $0x1  }
0x5c: {  	v7 =	vperm.xlane v4, v3;
	_ =	sdelay $0x1  }
0x5d: {  	v4 =	vadd.f32 v7, v4;
	_ =	sdelay $0x1  }
0x5e: {  	v4 =	vmul.f32 $1.442695020e+00, v4;
	_ =	sdelay $0x1  }
0x5f: {  	(erf) = vpow2.f32 v4;
	_ =	sdelay $0x4  }
0x60: {  	v4 =	vld [tilespmem:s25+$0xFFFFFFE0];
	_ =	sdelay $0x3  }
0x61: {  	v58 =	vpop (erf)  }
0x62: {  	v4 =	vmul.f32 v58, v4;
	_ =	sdelay $0x1  }
0x63: {  	[tilespmem:s25+$0xFFFFFFE0] =	vst v4  }
0x64: {  	v4 =	vld [tilespmem:s26+$0xD0]  }
0x65: {  	v8 =	vld [tilespmem:s26+$0x28D0];
	_ =	sdelay $0x4  }
0x66: {  	v4 =	vmul.f32 v8, v4;
	_ =	sdelay $0x1  }
0x67: {  	v8 =	vperm.xlane v4, v0;
	_ =	sdelay $0x1  }
0x68: {  	v4 =	vadd.f32 v8, v4;
	_ =	sdelay $0x1  }
0x69: {  	v8 =	vperm.xlane v4, v1;
	_ =	sdelay $0x1  }
0x6a: {  	v4 =	vadd.f32 v8, v4;
	_ =	sdelay $0x1  }
0x6b: {  	v8 =	vperm.xlane v4, v2;
	_ =	sdelay $0x1  }
0x6c: {  	v4 =	vadd.f32 v8, v4;
	_ =	sdelay $0x1  }
0x6d: {  	v8 =	vperm.xlane v4, v3;
	_ =	sdelay $0x1  }
0x6e: {  	v4 =	vadd.f32 v8, v4;
	_ =	sdelay $0x1  }
0x6f: {  	v4 =	vmul.f32 $1.442695020e+00, v4;
	_ =	sdelay $0x1  }
0x70: {  	(erf) = vpow2.f32 v4;
	_ =	sdelay $0x4  }
0x71: {  	v4 =	vld [tilespmem:s25+$0xFFFFFFF0];
	_ =	sdelay $0x3  }
0x72: {  	v59 =	vpop (erf)  }
0x73: {  	v4 =	vmul.f32 v59, v4;
	_ =	sdelay $0x1  }
0x74: {  	[tilespmem:s25+$0xFFFFFFF0] =	vst v4  }
0x75: {  	v4 =	vld [tilespmem:s26+$0xE0]  }
0x76: {  	v9 =	vld [tilespmem:s26+$0x28E0];
	_ =	sdelay $0x4  }
0x77: {  	v4 =	vmul.f32 v9, v4;
	_ =	sdelay $0x1  }
0x78: {  	v9 =	vperm.xlane v4, v0;
	_ =	sdelay $0x1  }
0x79: {  	v4 =	vadd.f32 v9, v4;
	_ =	sdelay $0x1  }
0x7a: {  	v9 =	vperm.xlane v4, v1;
	_ =	sdelay $0x1  }
0x7b: {  	v4 =	vadd.f32 v9, v4;
	_ =	sdelay $0x1  }
0x7c: {  	v9 =	vperm.xlane v4, v2;
	_ =	sdelay $0x1  }
0x7d: {  	v4 =	vadd.f32 v9, v4;
	_ =	sdelay $0x1  }
0x7e: {  	v9 =	vperm.xlane v4, v3;
	_ =	sdelay $0x1  }
0x7f: {  	v4 =	vadd.f32 v9, v4;
	_ =	sdelay $0x1  }
0x80: {  	v4 =	vmul.f32 $1.442695020e+00, v4;
	_ =	sdelay $0x1  }
0x81: {  	(erf) = vpow2.f32 v4;
	_ =	sdelay $0x4  }
0x82: {  	v4 =	vld [tilespmem:s25+$0x0];
	_ =	sdelay $0x3  }
0x83: {  	v60 =	vpop (erf)  }
0x84: {  	v4 =	vmul.f32 v60, v4;
	_ =	sdelay $0x1  }
0x85: {  	[tilespmem:s25+$0x0] =	vst v4  }
0x86: {  	v4 =	vld [tilespmem:s26+$0xF0]  }
0x87: {  	v10 =	vld [tilespmem:s26+$0x28F0];
	_ =	sdelay $0x4  }
0x88: {  	v4 =	vmul.f32 v10, v4;
	_ =	sdelay $0x1  }
0x89: {  	v10 =	vperm.xlane v4, v0;
	_ =	sdelay $0x1  }
0x8a: {  	v4 =	vadd.f32 v10, v4;
	_ =	sdelay $0x1  }
0x8b: {  	v10 =	vperm.xlane v4, v1;
	_ =	sdelay $0x1  }
0x8c: {  	v4 =	vadd.f32 v10, v4;
	_ =	sdelay $0x1  }
0x8d: {  	v10 =	vperm.xlane v4, v2;
	_ =	sdelay $0x1  }
0x8e: {  	v4 =	vadd.f32 v10, v4;
	_ =	sdelay $0x1  }
0x8f: {  	v10 =	vperm.xlane v4, v3;
	_ =	sdelay $0x1  }
0x90: {  	v4 =	vadd.f32 v10, v4;
	_ =	sdelay $0x1  }
0x91: {  	v4 =	vmul.f32 $1.442695020e+00, v4;
	_ =	sdelay $0x1  }
0x92: {  	(erf) = vpow2.f32 v4;
	_ =	sdelay $0x4  }
0x93: {  	v4 =	vld [tilespmem:s25+$0x10];
	_ =	sdelay $0x3  }
0x94: {  	v61 =	vpop (erf)  }
0x95: {  	v4 =	vmul.f32 v61, v4;
	_ =	sdelay $0x1  }
0x96: {  	[tilespmem:s25+$0x10] =	vst v4  }
0x97: {  	v4 =	vld [tilespmem:s26+$0x100]  }
0x98: {  	v11 =	vld [tilespmem:s26+$0x2900];
	_ =	sdelay $0x4  }
0x99: {  	v4 =	vmul.f32 v11, v4;
	_ =	sdelay $0x1  }
0x9a: {  	v11 =	vperm.xlane v4, v0;
	_ =	sdelay $0x1  }
0x9b: {  	v4 =	vadd.f32 v11, v4;
	_ =	sdelay $0x1  }
0x9c: {  	v11 =	vperm.xlane v4, v1;
	_ =	sdelay $0x1  }
0x9d: {  	v4 =	vadd.f32 v11, v4;
	_ =	sdelay $0x1  }
0x9e: {  	v11 =	vperm.xlane v4, v2;
	_ =	sdelay $0x1  }
0x9f: {  	v4 =	vadd.f32 v11, v4;
	_ =	sdelay $0x1  }
0xa0: {  	v11 =	vperm.xlane v4, v3;
	_ =	sdelay $0x1  }
0xa1: {  	v4 =	vadd.f32 v11, v4;
	_ =	sdelay $0x1  }
0xa2: {  	v4 =	vmul.f32 $1.442695020e+00, v4;
	_ =	sdelay $0x1  }
0xa3: {  	(erf) = vpow2.f32 v4;
	_ =	sdelay $0x4  }
0xa4: {  	v4 =	vld [tilespmem:s25+$0x20];
	_ =	sdelay $0x3  }
0xa5: {  	v62 =	vpop (erf)  }
0xa6: {  	v4 =	vmul.f32 v62, v4;
	_ =	sdelay $0x1  }
0xa7: {  	[tilespmem:s25+$0x20] =	vst v4  }
0xa8: {  	v4 =	vld [tilespmem:s26+$0x110]  }
0xa9: {  	v12 =	vld [tilespmem:s26+$0x2910];
	_ =	sdelay $0x4  }
0xaa: {  	v4 =	vmul.f32 v12, v4;
	_ =	sdelay $0x1  }
0xab: {  	v12 =	vperm.xlane v4, v0;
	_ =	sdelay $0x1  }
0xac: {  	v4 =	vadd.f32 v12, v4;
	_ =	sdelay $0x1  }
0xad: {  	v12 =	vperm.xlane v4, v1;
	_ =	sdelay $0x1  }
0xae: {  	v4 =	vadd.f32 v12, v4;
	_ =	sdelay $0x1  }
0xaf: {  	v12 =	vperm.xlane v4, v2;
	_ =	sdelay $0x1  }
0xb0: {  	v4 =	vadd.f32 v12, v4;
	_ =	sdelay $0x1  }
0xb1: {  	v12 =	vperm.xlane v4, v3;
	_ =	sdelay $0x1  }
0xb2: {  	v4 =	vadd.f32 v12, v4;
	_ =	sdelay $0x1  }
0xb3: {  	v4 =	vmul.f32 $1.442695020e+00, v4;
	_ =	sdelay $0x1  }
0xb4: {  	(erf) = vpow2.f32 v4;
	_ =	sdelay $0x4  }
0xb5: {  	v4 =	vld [tilespmem:s25+$0x30];
	_ =	sdelay $0x3  }
0xb6: {  	v5 =	vnsel vm0, $0x0, v5;
	v63 =	vpop (erf)  }
0xb7: {  	v5 =	vsel vm1, v5, v57;
	v4 =	vmul.f32 v63, v4  }
0xb8: {  	v5 =	vsel vm2, v5, v58  }
0xb9: {  	[tilespmem:s25+$0x30] =	vst v4;
	v4 =	vsel vm3, v5, v59;
	v5 =	vld [tilespmem:s25+$0x40]  }
0xba: {  	v4 =	vsel vm4, v4, v60  }
0xbb: {  	p0 =	sne.s32 s24, $0x9E00;
	v4 =	vsel vm5, v4, v61  }
.Ltmp0:
0xbc: {  	v4 =	vsel vm6, v4, v62;
	(pc) =	sbr.rel @p0 .LBB2_3-.Ltmp0, $3  }
0xbd: {  	v4 =	vsel vm7, v4, v63  }
0xbe: {  	v4 =	vmul.f32 v4, v5;
	_ =	sdelay $0x1  }
0xbf: {  	s24 =	sadd.s32 $0x200, s24;
	[tilespmem:s25+$0x40] =	vst v4;
	s25 =	sadd.s32 $0x90, s25  }
0xc0: {  	s23 =	sadd.s32 $0x1, s23  }
0xc1: {  	p0 =	sne.s32 s23, $0x7D  }
.Ltmp1:
0xc2: {  	_ = 	snop;
	(pc) =	sbr.rel @p0 .LBB2_2-.Ltmp1, $4  }
0xc3: {  	[spmem:s2] =	stream.indirect.scatter.add.f32 [tilespmem:s19], [sflag:$0x4], $0x90, s16, s16, $0xb8;
	[tilespmem:$0x1E5A0] =	vst v63  }
0xc4: {  	_ =	swait.ge [sflag:s15], $0x2D00  }
0xc5: {  	[sflag:s15] =	ssyncset.done $0x0  }
0xc6: {  	[sflag:s15] =	ssyncadd.s32 $0xFFFFD300  }
0xc7: {  	s3 =	sadd.s32 $0x1, s3  }
0xc8: {  	p0 =	sne.s32 s3, s13  }
.Ltmp2:
0xc9: {  	[bflag:$0x0] =	sbarrier.arrive $0xFFFF;
	(pc) =	sbr.rel @p0 .LBB2_1-.Ltmp2, $4  }
0xca: {  	[hbm:s12], [sflag:s10] =	dma.local [spmem:s14], $0x2D00  }
0xcb: {  	_ =	swait.ge [sflag:s15], $0x2D00  }
0xcc: {  	[sflag:s15] =	ssyncset.done $0x0  }
0xcd: {  	[sflag:s15] =	ssyncadd.s32 $0xFFFFD300  }
0xce: {  	_ =	sfence.sel $0x180000  }
0xcf: {  	[bflag:$0x0] =	sbarrier.arrive $0xFFFF  }
0xd0: {  	p0 =	sne.s32 s4, $0x0;
	_ =	strace $0x90000047  }
0xd1: {  	s0 =	sadd.s32 @!p0 $0x100000, s0;
	[bflag:$0x2] =	sbarrier.arrive $0xFFFF  }
0xd2: {  	[sflag:s0] =	ssyncadd.tile.s32 @!p0 $0x1;
	_ =	shalt  }
.Lfunc_end2:
_tile_overlayer_lowered:
.L_overlay_start_2:
0xd3: {  	(tag) =	ssettag $0x2  }
0xd4: {  	s0 =	rddreg [dreg:$0x0];
	s2 =	stileid.u32  }
0xd5: {  	s1 =	rddreg [dreg:$0x1];
	p0 =	sne.s32 s2, $0x0  }
0xd6: {  	s3 =	rddreg [dreg:$0x2];
	[bflag:$0x3] =	sbarrier.arrive $0xFFFF;
	s2 =	simm.s32 @!p0 $0x1C04  }
0xd7: {  	[timem:s3], [sflag:s2] =	dma.local @!p0 [hbm:s0], s1  }
0xd8: {  	s0 =	simm.s32 @!p0 $0x4  }
0xd9: {  	_ =	swait.ge @!p0 [sflag:s0], s1  }
0xda: {  	s1 =	ssub.s32 @!p0 $0x0, s1;
	[sflag:s0] =	ssyncset.done @!p0 $0x0  }
0xdb: {  	[sflag:s0] =	ssyncadd.s32 @!p0 s1  }
0xdc: {  	[bflag:$0x3] =	sbarrier.arrive $0xFFFF  }
0xdd: {  	_ =	shalt  }

</sc_bundles>
